<compile_context>
chip_gen: v7x
topology: tpu7x:2x2x1
jax: 0.10.2.dev20260603
libtpu: 0.0.44.dev20260713+nightly
codegen_flags: <defaults>
</compile_context>

<pallas_src>
import functools

import jax
import jax.numpy as jnp
from jax import lax
from jax.experimental import pallas as pl
from jax.experimental.pallas import tpu as pltpu
from jax.experimental.pallas import tpu_sc as plsc

NODE_DIM = 128
FT_DIM = 128
EDGE_DIM = 16
N_NODES = 100000
N_EDGES = 1600000
N_ATOM = 100

BN = 10000
NB = N_NODES // BN

CHUNK = 128
N_CHUNKS = N_EDGES // CHUNK
NW = 32
W_CHUNKS = N_CHUNKS // NW
EXTRA = N_CHUNKS - W_CHUNKS * NW
K = 13
GROUPS = W_CHUNKS // K
GROUP_ROWS = K * CHUNK


def _node_body(x_ref, atoms_ref, at_ref, w_ref, b_ref, o_ref):
    a = atoms_ref[0, 0, :]
    onehot = (a[:, None] == lax.broadcasted_iota(jnp.int32, (BN, N_ATOM), 1)
              ).astype(jnp.float32)
    w = w_ref[...]
    p = lax.dot_general(at_ref[...], w[:, :NODE_DIM],
                        (((1,), (1,)), ((), ())),
                        preferred_element_type=jnp.float32)
    t1 = lax.dot_general(onehot, p, (((1,), (0,)), ((), ())),
                         preferred_element_type=jnp.float32)
    t2 = lax.dot_general(x_ref[...], w[:, NODE_DIM:],
                         (((1,), (1,)), ((), ())),
                         preferred_element_type=jnp.float32)
    o_ref[...] = t1 + t2 + b_ref[...]


def _node_proj(x_features, atoms, atom_table, W, b):
    atoms3 = atoms.reshape(NB, 1, BN)
    b2 = b.reshape(1, NODE_DIM)
    return pl.pallas_call(
        _node_body,
        grid=(NB,),
        in_specs=[
            pl.BlockSpec((BN, FT_DIM), lambda i: (i, 0)),
            pl.BlockSpec((1, 1, BN), lambda i: (i, 0, 0)),
            pl.BlockSpec((N_ATOM, NODE_DIM), lambda i: (0, 0)),
            pl.BlockSpec((NODE_DIM, NODE_DIM + FT_DIM), lambda i: (0, 0)),
            pl.BlockSpec((1, NODE_DIM), lambda i: (0, 0)),
        ],
        out_specs=pl.BlockSpec((BN, NODE_DIM), lambda i: (i, 0)),
        out_shape=jax.ShapeDtypeStruct((N_NODES, NODE_DIM), jnp.float32),
    )(x_features, atoms3, atom_table, W, b2)


REP_STRIDE = 50 * EDGE_DIM + 1


def _edge_gather(edge_table, edge_attr):
    rep = jnp.broadcast_to(edge_table.reshape(1, 50 * EDGE_DIM),
                           (16, 50 * EDGE_DIM))
    tbl_flat = jnp.pad(rep, ((0, 0), (0, 1))).reshape(16 * REP_STRIDE)
    mesh = plsc.VectorSubcoreMesh(core_axis_name="c", subcore_axis_name="s")

    @functools.partial(
        pl.kernel,
        mesh=mesh,
        out_type=jax.ShapeDtypeStruct((EDGE_DIM, N_EDGES), jnp.float32),
        scratch_types=[
            pltpu.VMEM((16 * REP_STRIDE,), jnp.float32),
            pltpu.VMEM(((W_CHUNKS + 1) * CHUNK,), jnp.int32),
            pltpu.VMEM((EDGE_DIM, GROUP_ROWS), jnp.float32),
            pltpu.VMEM((EDGE_DIM, GROUP_ROWS), jnp.float32),
            pltpu.SemaphoreType.DMA,
            pltpu.SemaphoreType.DMA,
        ],
        compiler_params=pltpu.CompilerParams(needs_layout_passes=False),
    )
    def k(table_hbm, idx_hbm, out_hbm, tbl_v, idx_v, cols_a, cols_b,
          sem_a, sem_b):
        wid = lax.axis_index("s") * 2 + jax.lax.axis_index("c")
        cbase = wid * W_CHUNKS + jnp.minimum(wid, EXTRA)
        ebase0 = cbase * CHUNK
        lane_base = lax.iota(jnp.int32, 16) * REP_STRIDE
        cols = [jnp.full((16,), j, jnp.int32) for j in range(EDGE_DIM)]

        pltpu.sync_copy(table_hbm, tbl_v)
        pltpu.sync_copy(idx_hbm.at[pl.ds(ebase0, W_CHUNKS * CHUNK)],
                        idx_v.at[pl.ds(0, W_CHUNKS * CHUNK)])

        def fill(g, cols_v):
            @plsc.parallel_loop(0, GROUP_ROWS // 16)
            def _blk(i16):
                e16 = (idx_v[pl.ds(g * GROUP_ROWS + i16 * 16, 16)] * EDGE_DIM
                       + lane_base)
                for j in range(EDGE_DIM):
                    cols_v[j, pl.ds(i16 * 16, 16)] = plsc.load_gather(
                        tbl_v, [e16 + cols[j]])

        def out_slice(g, n=GROUP_ROWS):
            return out_hbm.at[:, pl.ds(ebase0 + g * GROUP_ROWS, n)]

        def body(t, carry):
            @pl.when(t > 0)
            def _():
                pltpu.make_async_copy(cols_a, out_slice(0), sem_a).wait()
            fill(2 * t, cols_a)
            pltpu.async_copy(cols_a, out_slice(2 * t), sem_a)

            @pl.when(t > 0)
            def _():
                pltpu.make_async_copy(cols_b, out_slice(0), sem_b).wait()
            fill(2 * t + 1, cols_b)
            pltpu.async_copy(cols_b, out_slice(2 * t + 1), sem_b)
            return carry

        lax.fori_loop(0, GROUPS // 2, body, 0)
        pltpu.make_async_copy(cols_a, out_slice(0), sem_a).wait()
        pltpu.make_async_copy(cols_b, out_slice(0), sem_b).wait()

        @pl.when(wid < EXTRA)
        def _tail():
            pltpu.sync_copy(idx_hbm.at[pl.ds(ebase0 + W_CHUNKS * CHUNK,
                                             CHUNK)],
                            idx_v.at[pl.ds(W_CHUNKS * CHUNK, CHUNK)])

            @plsc.parallel_loop(0, CHUNK // 16)
            def _blk(i16):
                e16 = (idx_v[pl.ds(W_CHUNKS * CHUNK + i16 * 16, 16)]
                       * EDGE_DIM + lane_base)
                for j in range(EDGE_DIM):
                    cols_a[j, pl.ds(i16 * 16, 16)] = plsc.load_gather(
                        tbl_v, [e16 + cols[j]])

            pltpu.sync_copy(cols_a.at[:, pl.ds(0, CHUNK)],
                            out_hbm.at[:, pl.ds(ebase0 + W_CHUNKS * CHUNK,
                                                CHUNK)])

    return k(tbl_flat, edge_attr).T


def kernel(x_features, atoms, edge_attr, pos, atom_table, edge_table, W, b):
    del pos
    x_out = _node_proj(x_features, atoms.astype(jnp.int32), atom_table, W, b)
    edge_embed = _edge_gather(edge_table, edge_attr.astype(jnp.int32))
    return (x_out, edge_embed)

# --- scband reference (transcript-rebuilt; emitter-appended) ---
"""Pipeline reference for scband-embedding-16312285790832 (READ-ONLY COPY).

The authoritative reference and input builder live on the scoring server;
editing this copy changes nothing except your own understanding.
"""

import jax, jax.numpy as jnp
import numpy as np

NODE_DIM = 128
FT_DIM = 128
EDGE_DIM = 16
N_NODES = 100000
N_EDGES = 1600000


def setup_inputs(seed: int = 0) -> dict:
    key = jax.random.key(seed)
    k1, k2, k3, k4, k5, k6, k7, k8 = jax.random.split(key, 8)
    x_features = jax.random.normal(k1, (N_NODES, FT_DIM), dtype=jnp.float32)
    atoms = jax.random.randint(k2, (N_NODES,), 0, 100, dtype=jnp.int64 if jax.config.jax_enable_x64 else jnp.int32)
    edge_attr = jax.random.randint(k3, (N_EDGES,), 0, 50, dtype=jnp.int64 if jax.config.jax_enable_x64 else jnp.int32)
    pos = jax.random.normal(k4, (N_NODES, 3), dtype=jnp.float32)
    # learned parameters
    atom_table = jax.random.normal(k5, (100, NODE_DIM), dtype=jnp.float32)
    edge_table = jax.random.normal(k6, (50, EDGE_DIM), dtype=jnp.float32)
    fan_in = NODE_DIM + FT_DIM
    bound = 1.0 / np.sqrt(fan_in)
    W = jax.random.uniform(k7, (NODE_DIM, NODE_DIM + FT_DIM), dtype=jnp.float32, minval=-bound, maxval=bound)
    b = jax.random.uniform(k8, (NODE_DIM,), dtype=jnp.float32, minval=-bound, maxval=bound)
    return {"x_features": x_features, "atoms": atoms, "edge_attr": edge_attr, "pos": pos,
            "atom_table": atom_table, "edge_table": edge_table, "W": W, "b": b}


def reference(x_features, atoms, edge_attr, pos, atom_table, edge_table, W, b):
    # T = pos.shape[-1]  (computed but unused in the original forward)
    T = pos.shape[-1]
    atom_embed = jnp.take(atom_table, atoms, axis=0)
    h = jnp.concatenate((atom_embed, x_features), axis=-1)
    x_out = h @ W.T + b
    edge_embed = jnp.take(edge_table, edge_attr, axis=0)
    return (x_out, edge_embed)

if __name__ == "__main__":
    import jax
    _d = setup_inputs()
    print(jax.jit(kernel)(*tuple(_d.values())))

</pallas_src>

<mosaic_0001>
#map = affine_map<(d0, d1) -> (0)>
#map1 = affine_map<(d0, d1) -> (0, 0)>
module attributes {stable_mosaic.version = 14 : i64} {
  func.func @k(%arg0: i32, %arg1: i32, %arg2: memref<12816xf32, #tpu.memory_space<hbm>>, %arg3: memref<1600000xi32, #tpu.memory_space<hbm>>, %arg4: memref<16x1600000xf32, #tpu.memory_space<hbm>>, %arg5: memref<12816xf32, #tpu.memory_space<vmem>>, %arg6: memref<50048xi32, #tpu.memory_space<vmem>>, %arg7: memref<16x1664xf32, #tpu.memory_space<vmem>>, %arg8: memref<16x1664xf32, #tpu.memory_space<vmem>>, %arg9: memref<!tpu.dma_semaphore, #tpu.memory_space<semaphore_mem>>, %arg10: memref<!tpu.dma_semaphore, #tpu.memory_space<semaphore_mem>>) attributes {dimension_semantics = [#tpu.dimension_semantics<core_parallel>, #tpu.dimension_semantics<subcore_parallel>], iteration_bounds = array<i64: 2, 16>, scalar_prefetch = 0 : i64, scratch_operands = 6 : i64, tpu.core_type = #tpu.core_type<sc_vector_subcore>, window_params = [{transform_indices = #map}, {transform_indices = #map}, {transform_indices = #map1}]} {
    %mul3A = arith.constant 2 : i32
    %mul3A_0 = arith.muli %arg1, %mul3A : i32
    %add3A = arith.addi %mul3A_0, %arg0 : i32
    %mul3A_1 = arith.constant 390 : i32
    %mul3A_2 = arith.muli %add3A, %mul3A_1 : i32
    %min3A = arith.constant 20 : i32
    %min3A_3 = arith.minsi %add3A, %min3A : i32
    %add3A_4 = arith.addi %mul3A_2, %min3A_3 : i32
    %mul3A_5 = arith.constant 128 : i32
    %mul3A_6 = arith.muli %add3A_4, %mul3A_5 : i32
    %iota3A = tpu.iota {dimensions = array<i32: 0>} : vector<16xi32>
    %mul3A_7 = arith.constant 801 : i32
    %mul3A_8 = vector.broadcast %mul3A_7 : i32 to vector<16xi32>
    %mul3A_9 = arith.muli %iota3A, %mul3A_8 : vector<16xi32>
    %broadcast_in_dim3A = arith.constant 0 : i32
    %broadcast_in_dim3A_10 = vector.broadcast %broadcast_in_dim3A : i32 to vector<16xi32>
    %broadcast_in_dim3A_11 = arith.constant 1 : i32
    %broadcast_in_dim3A_12 = vector.broadcast %broadcast_in_dim3A_11 : i32 to vector<16xi32>
    %broadcast_in_dim3A_13 = arith.constant 2 : i32
    %broadcast_in_dim3A_14 = vector.broadcast %broadcast_in_dim3A_13 : i32 to vector<16xi32>
    %broadcast_in_dim3A_15 = arith.constant 3 : i32
    %broadcast_in_dim3A_16 = vector.broadcast %broadcast_in_dim3A_15 : i32 to vector<16xi32>
    %broadcast_in_dim3A_17 = arith.constant 4 : i32
    %broadcast_in_dim3A_18 = vector.broadcast %broadcast_in_dim3A_17 : i32 to vector<16xi32>
    %broadcast_in_dim3A_19 = arith.constant 5 : i32
    %broadcast_in_dim3A_20 = vector.broadcast %broadcast_in_dim3A_19 : i32 to vector<16xi32>
    %broadcast_in_dim3A_21 = arith.constant 6 : i32
    %broadcast_in_dim3A_22 = vector.broadcast %broadcast_in_dim3A_21 : i32 to vector<16xi32>
    %broadcast_in_dim3A_23 = arith.constant 7 : i32
    %broadcast_in_dim3A_24 = vector.broadcast %broadcast_in_dim3A_23 : i32 to vector<16xi32>
    %broadcast_in_dim3A_25 = arith.constant 8 : i32
    %broadcast_in_dim3A_26 = vector.broadcast %broadcast_in_dim3A_25 : i32 to vector<16xi32>
    %broadcast_in_dim3A_27 = arith.constant 9 : i32
    %broadcast_in_dim3A_28 = vector.broadcast %broadcast_in_dim3A_27 : i32 to vector<16xi32>
    %broadcast_in_dim3A_29 = arith.constant 10 : i32
    %broadcast_in_dim3A_30 = vector.broadcast %broadcast_in_dim3A_29 : i32 to vector<16xi32>
    %broadcast_in_dim3A_31 = arith.constant 11 : i32
    %broadcast_in_dim3A_32 = vector.broadcast %broadcast_in_dim3A_31 : i32 to vector<16xi32>
    %broadcast_in_dim3A_33 = arith.constant 12 : i32
    %broadcast_in_dim3A_34 = vector.broadcast %broadcast_in_dim3A_33 : i32 to vector<16xi32>
    %broadcast_in_dim3A_35 = arith.constant 13 : i32
    %broadcast_in_dim3A_36 = vector.broadcast %broadcast_in_dim3A_35 : i32 to vector<16xi32>
    %broadcast_in_dim3A_37 = arith.constant 14 : i32
    %broadcast_in_dim3A_38 = vector.broadcast %broadcast_in_dim3A_37 : i32 to vector<16xi32>
    %broadcast_in_dim3A_39 = arith.constant 15 : i32
    %broadcast_in_dim3A_40 = vector.broadcast %broadcast_in_dim3A_39 : i32 to vector<16xi32>
    "tpu.region"() ({
      %run_scoped3A = tpu.sem_alloc : memref<!tpu.dma_semaphore, #tpu.memory_space<semaphore_mem>>
      tpu.enqueue_dma source(%arg2 : memref<12816xf32, #tpu.memory_space<hbm>>) target(%arg5 : memref<12816xf32, #tpu.memory_space<vmem>>) target_semaphore(%run_scoped3A : memref<!tpu.dma_semaphore, #tpu.memory_space<semaphore_mem>>)
      tpu.wait_dma2 semaphore(%run_scoped3A : memref<!tpu.dma_semaphore, #tpu.memory_space<semaphore_mem>>) src(%arg2 : memref<12816xf32, #tpu.memory_space<hbm>>) dst(%arg5 : memref<12816xf32, #tpu.memory_space<vmem>>)
      tpu.yield
    }) : () -> ()
    "tpu.region"() ({
      %run_scoped3A = tpu.sem_alloc : memref<!tpu.dma_semaphore, #tpu.memory_space<semaphore_mem>>
      %dma_start3A = arith.constant 0 : i32
      %dma_start3A_59 = tpu.memref_slice %arg6[%dma_start3A] : memref<50048xi32, #tpu.memory_space<vmem>> -> memref<49920xi32, #tpu.memory_space<vmem>>
      %dma_start3A_60 = tpu.memref_slice %arg3[%mul3A_6] : memref<1600000xi32, #tpu.memory_space<hbm>> -> memref<49920xi32, #tpu.memory_space<hbm>>
      %dma_start3A_61 = arith.constant 0 : i32
      %dma_start3A_62 = tpu.memref_slice %arg6[%dma_start3A_61] : memref<50048xi32, #tpu.memory_space<vmem>> -> memref<49920xi32, #tpu.memory_space<vmem>>
      %dma_start3A_63 = tpu.memref_slice %arg3[%mul3A_6] : memref<1600000xi32, #tpu.memory_space<hbm>> -> memref<49920xi32, #tpu.memory_space<hbm>>
      tpu.enqueue_dma source(%dma_start3A_63 : memref<49920xi32, #tpu.memory_space<hbm>>) target(%dma_start3A_62 : memref<49920xi32, #tpu.memory_space<vmem>>) target_semaphore(%run_scoped3A : memref<!tpu.dma_semaphore, #tpu.memory_space<semaphore_mem>>)
      %dma_wait3A_64 = arith.constant 0 : i32
      %dma_wait3A_65 = tpu.memref_slice %arg6[%dma_wait3A_64] : memref<50048xi32, #tpu.memory_space<vmem>> -> memref<49920xi32, #tpu.memory_space<vmem>>
      %dma_wait3A_66 = tpu.memref_slice %arg3[%mul3A_6] : memref<1600000xi32, #tpu.memory_space<hbm>> -> memref<49920xi32, #tpu.memory_space<hbm>>
      %dma_wait3A_67 = arith.constant 0 : i32
      %dma_wait3A_68 = tpu.memref_slice %arg6[%dma_wait3A_67] : memref<50048xi32, #tpu.memory_space<vmem>> -> memref<49920xi32, #tpu.memory_space<vmem>>
      %dma_wait3A_69 = tpu.memref_slice %arg3[%mul3A_6] : memref<1600000xi32, #tpu.memory_space<hbm>> -> memref<49920xi32, #tpu.memory_space<hbm>>
      tpu.wait_dma2 semaphore(%run_scoped3A : memref<!tpu.dma_semaphore, #tpu.memory_space<semaphore_mem>>) src(%dma_wait3A_69 : memref<49920xi32, #tpu.memory_space<hbm>>) dst(%dma_wait3A_68 : memref<49920xi32, #tpu.memory_space<vmem>>)
      tpu.yield
    }) : () -> ()
    %scan3A = arith.constant 0 : i32
    %scan3A_41 = arith.constant 0 : i32
    %scan3A_42 = arith.constant 15 : i32
    %scan3A_43 = arith.addi %scan3A_41, %scan3A_42 : i32
    %scan3A_44 = arith.constant 1 : i32
    scf.for %scan3A_59 = %scan3A_41 to %scan3A_43 step %scan3A_44  : i32 {
      %gt3A = arith.constant 0 : i32
      %gt3A_60 = arith.cmpi sgt, %scan3A_59, %gt3A : i32
      %convert_element_type3A_61 = arith.extui %gt3A_60 : i1 to i32
      %cond3A_62 = arith.constant 0 : i32
      %cond3A_63 = arith.cmpi ne, %convert_element_type3A_61, %cond3A_62 : i32
      scf.if %cond3A_63 {
        %add3A_99 = arith.constant 0 : i32
        %add3A_100 = arith.addi %mul3A_6, %add3A_99 : i32
        %dma_wait3A_101 = arith.constant 0 : i32
        %dma_wait3A_102 = tpu.memref_slice %arg4[%dma_wait3A_101, %add3A_100] : memref<16x1600000xf32, #tpu.memory_space<hbm>> -> memref<16x1664xf32, #tpu.memory_space<hbm>>
        %dma_wait3A_103 = arith.constant 0 : i32
        %dma_wait3A_104 = tpu.memref_slice %arg4[%dma_wait3A_103, %add3A_100] : memref<16x1600000xf32, #tpu.memory_space<hbm>> -> memref<16x1664xf32, #tpu.memory_space<hbm>>
        tpu.wait_dma2 semaphore(%arg9 : memref<!tpu.dma_semaphore, #tpu.memory_space<semaphore_mem>>) src(%arg7 : memref<16x1664xf32, #tpu.memory_space<vmem>>) dst(%dma_wait3A_104 : memref<16x1664xf32, #tpu.memory_space<hbm>>)
      } else {
      }
      %mul3A_64 = arith.constant 2 : i32
      %mul3A_65 = arith.muli %mul3A_64, %scan3A_59 : i32
      %parallel_loop3A = arith.constant 0 : i32
      %parallel_loop3A_66 = arith.constant 104 : i32
      %parallel_loop3A_67 = arith.constant 1 : i32
      scf.for %parallel_loop3A_99 = %parallel_loop3A to %parallel_loop3A_66 step %parallel_loop3A_67  : i32 {
        %parallel_loop3A_100 = arith.constant 1664 : i32
        %parallel_loop3A_101 = arith.muli %mul3A_65, %parallel_loop3A_100 : i32
        %parallel_loop3A_102 = arith.constant 16 : i32
        %parallel_loop3A_103 = arith.muli %parallel_loop3A_99, %parallel_loop3A_102 : i32
        %parallel_loop3A_104 = arith.addi %parallel_loop3A_101, %parallel_loop3A_103 : i32
        %parallel_loop3A_105 = arith.index_cast %parallel_loop3A_104 : i32 to index
        %parallel_loop3A_106 = tpu.vector_load %arg6[%parallel_loop3A_105] {strides = array<i32>} : memref<50048xi32, #tpu.memory_space<vmem>>, vector<16xi32>,
        %parallel_loop3A_107 = arith.constant 16 : i32
        %parallel_loop3A_108 = vector.broadcast %parallel_loop3A_107 : i32 to vector<16xi32>
        %parallel_loop3A_109 = arith.muli %parallel_loop3A_106, %parallel_loop3A_108 : vector<16xi32>
        %parallel_loop3A_110 = arith.addi %parallel_loop3A_109, %mul3A_9 : vector<16xi32>
        %parallel_loop3A_111 = arith.addi %parallel_loop3A_110, %broadcast_in_dim3A_10 : vector<16xi32>
        %parallel_loop3A_112 = tpu.vector_load_idx %arg5[%parallel_loop3A_111] : memref<12816xf32, #tpu.memory_space<vmem>>[vector<16xi32>], vector<16xf32>,
        %parallel_loop3A_113 = arith.constant 16 : i32
        %parallel_loop3A_114 = arith.muli %parallel_loop3A_99, %parallel_loop3A_113 : i32
        %parallel_loop3A_115 = arith.constant 0 : i32
        %parallel_loop3A_116 = arith.index_cast %parallel_loop3A_115 : i32 to index
        %parallel_loop3A_117 = arith.index_cast %parallel_loop3A_114 : i32 to index
        %parallel_loop3A_118 = tpu.vector_load %arg7[%parallel_loop3A_116, %parallel_loop3A_117] {strides = array<i32>} : memref<16x1664xf32, #tpu.memory_space<vmem>>, vector<16xf32>,
        tpu.vector_store %arg7[%parallel_loop3A_116, %parallel_loop3A_117], %parallel_loop3A_112 {strides = array<i32>} : memref<16x1664xf32, #tpu.memory_space<vmem>>, vector<16xf32>,
        %parallel_loop3A_119 = arith.addi %parallel_loop3A_110, %broadcast_in_dim3A_12 : vector<16xi32>
        %parallel_loop3A_120 = tpu.vector_load_idx %arg5[%parallel_loop3A_119] : memref<12816xf32, #tpu.memory_space<vmem>>[vector<16xi32>], vector<16xf32>,
        %parallel_loop3A_121 = arith.constant 16 : i32
        %parallel_loop3A_122 = arith.muli %parallel_loop3A_99, %parallel_loop3A_121 : i32
        %parallel_loop3A_123 = arith.constant 1 : i32
        %parallel_loop3A_124 = arith.index_cast %parallel_loop3A_123 : i32 to index
        %parallel_loop3A_125 = arith.index_cast %parallel_loop3A_122 : i32 to index
        %parallel_loop3A_126 = tpu.vector_load %arg7[%parallel_loop3A_124, %parallel_loop3A_125] {strides = array<i32>} : memref<16x1664xf32, #tpu.memory_space<vmem>>, vector<16xf32>,
        tpu.vector_store %arg7[%parallel_loop3A_124, %parallel_loop3A_125], %parallel_loop3A_120 {strides = array<i32>} : memref<16x1664xf32, #tpu.memory_space<vmem>>, vector<16xf32>,
        %parallel_loop3A_127 = arith.addi %parallel_loop3A_110, %broadcast_in_dim3A_14 : vector<16xi32>
        %parallel_loop3A_128 = tpu.vector_load_idx %arg5[%parallel_loop3A_127] : memref<12816xf32, #tpu.memory_space<vmem>>[vector<16xi32>], vector<16xf32>,
        %parallel_loop3A_129 = arith.constant 16 : i32
        %parallel_loop3A_130 = arith.muli %parallel_loop3A_99, %parallel_loop3A_129 : i32
        %parallel_loop3A_131 = arith.constant 2 : i32
        %parallel_loop3A_132 = arith.index_cast %parallel_loop3A_131 : i32 to index
        %parallel_loop3A_133 = arith.index_cast %parallel_loop3A_130 : i32 to index
        %parallel_loop3A_134 = tpu.vector_load %arg7[%parallel_loop3A_132, %parallel_loop3A_133] {strides = array<i32>} : memref<16x1664xf32, #tpu.memory_space<vmem>>, vector<16xf32>,
        tpu.vector_store %arg7[%parallel_loop3A_132, %parallel_loop3A_133], %parallel_loop3A_128 {strides = array<i32>} : memref<16x1664xf32, #tpu.memory_space<vmem>>, vector<16xf32>,
        %parallel_loop3A_135 = arith.addi %parallel_loop3A_110, %broadcast_in_dim3A_16 : vector<16xi32>
        %parallel_loop3A_136 = tpu.vector_load_idx %arg5[%parallel_loop3A_135] : memref<12816xf32, #tpu.memory_space<vmem>>[vector<16xi32>], vector<16xf32>,
        %parallel_loop3A_137 = arith.constant 16 : i32
        %parallel_loop3A_138 = arith.muli %parallel_loop3A_99, %parallel_loop3A_137 : i32
        %parallel_loop3A_139 = arith.constant 3 : i32
        %parallel_loop3A_140 = arith.index_cast %parallel_loop3A_139 : i32 to index
        %parallel_loop3A_141 = arith.index_cast %parallel_loop3A_138 : i32 to index
        %parallel_loop3A_142 = tpu.vector_load %arg7[%parallel_loop3A_140, %parallel_loop3A_141] {strides = array<i32>} : memref<16x1664xf32, #tpu.memory_space<vmem>>, vector<16xf32>,
        tpu.vector_store %arg7[%parallel_loop3A_140, %parallel_loop3A_141], %parallel_loop3A_136 {strides = array<i32>} : memref<16x1664xf32, #tpu.memory_space<vmem>>, vector<16xf32>,
        %parallel_loop3A_143 = arith.addi %parallel_loop3A_110, %broadcast_in_dim3A_18 : vector<16xi32>
        %parallel_loop3A_144 = tpu.vector_load_idx %arg5[%parallel_loop3A_143] : memref<12816xf32, #tpu.memory_space<vmem>>[vector<16xi32>], vector<16xf32>,
        %parallel_loop3A_145 = arith.constant 16 : i32
        %parallel_loop3A_146 = arith.muli %parallel_loop3A_99, %parallel_loop3A_145 : i32
        %parallel_loop3A_147 = arith.constant 4 : i32
        %parallel_loop3A_148 = arith.index_cast %parallel_loop3A_147 : i32 to index
        %parallel_loop3A_149 = arith.index_cast %parallel_loop3A_146 : i32 to index
        %parallel_loop3A_150 = tpu.vector_load %arg7[%parallel_loop3A_148, %parallel_loop3A_149] {strides = array<i32>} : memref<16x1664xf32, #tpu.memory_space<vmem>>, vector<16xf32>,
        tpu.vector_store %arg7[%parallel_loop3A_148, %parallel_loop3A_149], %parallel_loop3A_144 {strides = array<i32>} : memref<16x1664xf32, #tpu.memory_space<vmem>>, vector<16xf32>,
        %parallel_loop3A_151 = arith.addi %parallel_loop3A_110, %broadcast_in_dim3A_20 : vector<16xi32>
        %parallel_loop3A_152 = tpu.vector_load_idx %arg5[%parallel_loop3A_151] : memref<12816xf32, #tpu.memory_space<vmem>>[vector<16xi32>], vector<16xf32>,
        %parallel_loop3A_153 = arith.constant 16 : i32
        %parallel_loop3A_154 = arith.muli %parallel_loop3A_99, %parallel_loop3A_153 : i32
        %parallel_loop3A_155 = arith.constant 5 : i32
        %parallel_loop3A_156 = arith.index_cast %parallel_loop3A_155 : i32 to index
        %parallel_loop3A_157 = arith.index_cast %parallel_loop3A_154 : i32 to index
        %parallel_loop3A_158 = tpu.vector_load %arg7[%parallel_loop3A_156, %parallel_loop3A_157] {strides = array<i32>} : memref<16x1664xf32, #tpu.memory_space<vmem>>, vector<16xf32>,
        tpu.vector_store %arg7[%parallel_loop3A_156, %parallel_loop3A_157], %parallel_loop3A_152 {strides = array<i32>} : memref<16x1664xf32, #tpu.memory_space<vmem>>, vector<16xf32>,
        %parallel_loop3A_159 = arith.addi %parallel_loop3A_110, %broadcast_in_dim3A_22 : vector<16xi32>
        %parallel_loop3A_160 = tpu.vector_load_idx %arg5[%parallel_loop3A_159] : memref<12816xf32, #tpu.memory_space<vmem>>[vector<16xi32>], vector<16xf32>,
        %parallel_loop3A_161 = arith.constant 16 : i32
        %parallel_loop3A_162 = arith.muli %parallel_loop3A_99, %parallel_loop3A_161 : i32
        %parallel_loop3A_163 = arith.constant 6 : i32
        %parallel_loop3A_164 = arith.index_cast %parallel_loop3A_163 : i32 to index
        %parallel_loop3A_165 = arith.index_cast %parallel_loop3A_162 : i32 to index
        %parallel_loop3A_166 = tpu.vector_load %arg7[%parallel_loop3A_164, %parallel_loop3A_165] {strides = array<i32>} : memref<16x1664xf32, #tpu.memory_space<vmem>>, vector<16xf32>,
        tpu.vector_store %arg7[%parallel_loop3A_164, %parallel_loop3A_165], %parallel_loop3A_160 {strides = array<i32>} : memref<16x1664xf32, #tpu.memory_space<vmem>>, vector<16xf32>,
        %parallel_loop3A_167 = arith.addi %parallel_loop3A_110, %broadcast_in_dim3A_24 : vector<16xi32>
        %parallel_loop3A_168 = tpu.vector_load_idx %arg5[%parallel_loop3A_167] : memref<12816xf32, #tpu.memory_space<vmem>>[vector<16xi32>], vector<16xf32>,
        %parallel_loop3A_169 = arith.constant 16 : i32
        %parallel_loop3A_170 = arith.muli %parallel_loop3A_99, %parallel_loop3A_169 : i32
        %parallel_loop3A_171 = arith.constant 7 : i32
        %parallel_loop3A_172 = arith.index_cast %parallel_loop3A_171 : i32 to index
        %parallel_loop3A_173 = arith.index_cast %parallel_loop3A_170 : i32 to index
        %parallel_loop3A_174 = tpu.vector_load %arg7[%parallel_loop3A_172, %parallel_loop3A_173] {strides = array<i32>} : memref<16x1664xf32, #tpu.memory_space<vmem>>, vector<16xf32>,
        tpu.vector_store %arg7[%parallel_loop3A_172, %parallel_loop3A_173], %parallel_loop3A_168 {strides = array<i32>} : memref<16x1664xf32, #tpu.memory_space<vmem>>, vector<16xf32>,
        %parallel_loop3A_175 = arith.addi %parallel_loop3A_110, %broadcast_in_dim3A_26 : vector<16xi32>
        %parallel_loop3A_176 = tpu.vector_load_idx %arg5[%parallel_loop3A_175] : memref<12816xf32, #tpu.memory_space<vmem>>[vector<16xi32>], vector<16xf32>,
        %parallel_loop3A_177 = arith.constant 16 : i32
        %parallel_loop3A_178 = arith.muli %parallel_loop3A_99, %parallel_loop3A_177 : i32
        %parallel_loop3A_179 = arith.constant 8 : i32
        %parallel_loop3A_180 = arith.index_cast %parallel_loop3A_179 : i32 to index
        %parallel_loop3A_181 = arith.index_cast %parallel_loop3A_178 : i32 to index
        %parallel_loop3A_182 = tpu.vector_load %arg7[%parallel_loop3A_180, %parallel_loop3A_181] {strides = array<i32>} : memref<16x1664xf32, #tpu.memory_space<vmem>>, vector<16xf32>,
        tpu.vector_store %arg7[%parallel_loop3A_180, %parallel_loop3A_181], %parallel_loop3A_176 {strides = array<i32>} : memref<16x1664xf32, #tpu.memory_space<vmem>>, vector<16xf32>,
        %parallel_loop3A_183 = arith.addi %parallel_loop3A_110, %broadcast_in_dim3A_28 : vector<16xi32>
        %parallel_loop3A_184 = tpu.vector_load_idx %arg5[%parallel_loop3A_183] : memref<12816xf32, #tpu.memory_space<vmem>>[vector<16xi32>], vector<16xf32>,
        %parallel_loop3A_185 = arith.constant 16 : i32
        %parallel_loop3A_186 = arith.muli %parallel_loop3A_99, %parallel_loop3A_185 : i32
        %parallel_loop3A_187 = arith.constant 9 : i32
        %parallel_loop3A_188 = arith.index_cast %parallel_loop3A_187 : i32 to index
        %parallel_loop3A_189 = arith.index_cast %parallel_loop3A_186 : i32 to index
        %parallel_loop3A_190 = tpu.vector_load %arg7[%parallel_loop3A_188, %parallel_loop3A_189] {strides = array<i32>} : memref<16x1664xf32, #tpu.memory_space<vmem>>, vector<16xf32>,
        tpu.vector_store %arg7[%parallel_loop3A_188, %parallel_loop3A_189], %parallel_loop3A_184 {strides = array<i32>} : memref<16x1664xf32, #tpu.memory_space<vmem>>, vector<16xf32>,
        %parallel_loop3A_191 = arith.addi %parallel_loop3A_110, %broadcast_in_dim3A_30 : vector<16xi32>
        %parallel_loop3A_192 = tpu.vector_load_idx %arg5[%parallel_loop3A_191] : memref<12816xf32, #tpu.memory_space<vmem>>[vector<16xi32>], vector<16xf32>,
        %parallel_loop3A_193 = arith.constant 16 : i32
        %parallel_loop3A_194 = arith.muli %parallel_loop3A_99, %parallel_loop3A_193 : i32
        %parallel_loop3A_195 = arith.constant 10 : i32
        %parallel_loop3A_196 = arith.index_cast %parallel_loop3A_195 : i32 to index
        %parallel_loop3A_197 = arith.index_cast %parallel_loop3A_194 : i32 to index
        %parallel_loop3A_198 = tpu.vector_load %arg7[%parallel_loop3A_196, %parallel_loop3A_197] {strides = array<i32>} : memref<16x1664xf32, #tpu.memory_space<vmem>>, vector<16xf32>,
        tpu.vector_store %arg7[%parallel_loop3A_196, %parallel_loop3A_197], %parallel_loop3A_192 {strides = array<i32>} : memref<16x1664xf32, #tpu.memory_space<vmem>>, vector<16xf32>,
        %parallel_loop3A_199 = arith.addi %parallel_loop3A_110, %broadcast_in_dim3A_32 : vector<16xi32>
        %parallel_loop3A_200 = tpu.vector_load_idx %arg5[%parallel_loop3A_199] : memref<12816xf32, #tpu.memory_space<vmem>>[vector<16xi32>], vector<16xf32>,
        %parallel_loop3A_201 = arith.constant 16 : i32
        %parallel_loop3A_202 = arith.muli %parallel_loop3A_99, %parallel_loop3A_201 : i32
        %parallel_loop3A_203 = arith.constant 11 : i32
        %parallel_loop3A_204 = arith.index_cast %parallel_loop3A_203 : i32 to index
        %parallel_loop3A_205 = arith.index_cast %parallel_loop3A_202 : i32 to index
        %parallel_loop3A_206 = tpu.vector_load %arg7[%parallel_loop3A_204, %parallel_loop3A_205] {strides = array<i32>} : memref<16x1664xf32, #tpu.memory_space<vmem>>, vector<16xf32>,
        tpu.vector_store %arg7[%parallel_loop3A_204, %parallel_loop3A_205], %parallel_loop3A_200 {strides = array<i32>} : memref<16x1664xf32, #tpu.memory_space<vmem>>, vector<16xf32>,
        %parallel_loop3A_207 = arith.addi %parallel_loop3A_110, %broadcast_in_dim3A_34 : vector<16xi32>
        %parallel_loop3A_208 = tpu.vector_load_idx %arg5[%parallel_loop3A_207] : memref<12816xf32, #tpu.memory_space<vmem>>[vector<16xi32>], vector<16xf32>,
        %parallel_loop3A_209 = arith.constant 16 : i32
        %parallel_loop3A_210 = arith.muli %parallel_loop3A_99, %parallel_loop3A_209 : i32
        %parallel_loop3A_211 = arith.constant 12 : i32
        %parallel_loop3A_212 = arith.index_cast %parallel_loop3A_211 : i32 to index
        %parallel_loop3A_213 = arith.index_cast %parallel_loop3A_210 : i32 to index
        %parallel_loop3A_214 = tpu.vector_load %arg7[%parallel_loop3A_212, %parallel_loop3A_213] {strides = array<i32>} : memref<16x1664xf32, #tpu.memory_space<vmem>>, vector<16xf32>,
        tpu.vector_store %arg7[%parallel_loop3A_212, %parallel_loop3A_213], %parallel_loop3A_208 {strides = array<i32>} : memref<16x1664xf32, #tpu.memory_space<vmem>>, vector<16xf32>,
        %parallel_loop3A_215 = arith.addi %parallel_loop3A_110, %broadcast_in_dim3A_36 : vector<16xi32>
        %parallel_loop3A_216 = tpu.vector_load_idx %arg5[%parallel_loop3A_215] : memref<12816xf32, #tpu.memory_space<vmem>>[vector<16xi32>], vector<16xf32>,
        %parallel_loop3A_217 = arith.constant 16 : i32
        %parallel_loop3A_218 = arith.muli %parallel_loop3A_99, %parallel_loop3A_217 : i32
        %parallel_loop3A_219 = arith.constant 13 : i32
        %parallel_loop3A_220 = arith.index_cast %parallel_loop3A_219 : i32 to index
        %parallel_loop3A_221 = arith.index_cast %parallel_loop3A_218 : i32 to index
        %parallel_loop3A_222 = tpu.vector_load %arg7[%parallel_loop3A_220, %parallel_loop3A_221] {strides = array<i32>} : memref<16x1664xf32, #tpu.memory_space<vmem>>, vector<16xf32>,
        tpu.vector_store %arg7[%parallel_loop3A_220, %parallel_loop3A_221], %parallel_loop3A_216 {strides = array<i32>} : memref<16x1664xf32, #tpu.memory_space<vmem>>, vector<16xf32>,
        %parallel_loop3A_223 = arith.addi %parallel_loop3A_110, %broadcast_in_dim3A_38 : vector<16xi32>
        %parallel_loop3A_224 = tpu.vector_load_idx %arg5[%parallel_loop3A_223] : memref<12816xf32, #tpu.memory_space<vmem>>[vector<16xi32>], vector<16xf32>,
        %parallel_loop3A_225 = arith.constant 16 : i32
        %parallel_loop3A_226 = arith.muli %parallel_loop3A_99, %parallel_loop3A_225 : i32
        %parallel_loop3A_227 = arith.constant 14 : i32
        %parallel_loop3A_228 = arith.index_cast %parallel_loop3A_227 : i32 to index
        %parallel_loop3A_229 = arith.index_cast %parallel_loop3A_226 : i32 to index
        %parallel_loop3A_230 = tpu.vector_load %arg7[%parallel_loop3A_228, %parallel_loop3A_229] {strides = array<i32>} : memref<16x1664xf32, #tpu.memory_space<vmem>>, vector<16xf32>,
        tpu.vector_store %arg7[%parallel_loop3A_228, %parallel_loop3A_229], %parallel_loop3A_224 {strides = array<i32>} : memref<16x1664xf32, #tpu.memory_space<vmem>>, vector<16xf32>,
        %parallel_loop3A_231 = arith.addi %parallel_loop3A_110, %broadcast_in_dim3A_40 : vector<16xi32>
        %parallel_loop3A_232 = tpu.vector_load_idx %arg5[%parallel_loop3A_231] : memref<12816xf32, #tpu.memory_space<vmem>>[vector<16xi32>], vector<16xf32>,
        %parallel_loop3A_233 = arith.constant 16 : i32
        %parallel_loop3A_234 = arith.muli %parallel_loop3A_99, %parallel_loop3A_233 : i32
        %parallel_loop3A_235 = arith.constant 15 : i32
        %parallel_loop3A_236 = arith.index_cast %parallel_loop3A_235 : i32 to index
        %parallel_loop3A_237 = arith.index_cast %parallel_loop3A_234 : i32 to index
        %parallel_loop3A_238 = tpu.vector_load %arg7[%parallel_loop3A_236, %parallel_loop3A_237] {strides = array<i32>} : memref<16x1664xf32, #tpu.memory_space<vmem>>, vector<16xf32>,
        tpu.vector_store %arg7[%parallel_loop3A_236, %parallel_loop3A_237], %parallel_loop3A_232 {strides = array<i32>} : memref<16x1664xf32, #tpu.memory_space<vmem>>, vector<16xf32>,
      } {sc.loop_unroll_factor = 1 : i64, sc.parallel_access}
      %mul3A_68 = arith.constant 2 : i32
      %mul3A_69 = arith.muli %mul3A_68, %scan3A_59 : i32
      %mul3A_70 = arith.constant 1664 : i32
      %mul3A_71 = arith.muli %mul3A_69, %mul3A_70 : i32
      %add3A_72 = arith.addi %mul3A_6, %mul3A_71 : i32
      %dma_start3A = arith.constant 0 : i32
      %dma_start3A_73 = tpu.memref_slice %arg4[%dma_start3A, %add3A_72] : memref<16x1600000xf32, #tpu.memory_space<hbm>> -> memref<16x1664xf32, #tpu.memory_space<hbm>>
      %dma_start3A_74 = arith.constant 0 : i32
      %dma_start3A_75 = tpu.memref_slice %arg4[%dma_start3A_74, %add3A_72] : memref<16x1600000xf32, #tpu.memory_space<hbm>> -> memref<16x1664xf32, #tpu.memory_space<hbm>>
      tpu.enqueue_dma source(%arg7 : memref<16x1664xf32, #tpu.memory_space<vmem>>) target(%dma_start3A_75 : memref<16x1664xf32, #tpu.memory_space<hbm>>) target_semaphore(%arg9 : memref<!tpu.dma_semaphore, #tpu.memory_space<semaphore_mem>>)
      %gt3A_76 = arith.constant 0 : i32
      %gt3A_77 = arith.cmpi sgt, %scan3A_59, %gt3A_76 : i32
      %convert_element_type3A_78 = arith.extui %gt3A_77 : i1 to i32
      %cond3A_79 = arith.constant 0 : i32
      %cond3A_80 = arith.cmpi ne, %convert_element_type3A_78, %cond3A_79 : i32
      scf.if %cond3A_80 {
        %add3A_99 = arith.constant 0 : i32
        %add3A_100 = arith.addi %mul3A_6, %add3A_99 : i32
        %dma_wait3A_101 = arith.constant 0 : i32
        %dma_wait3A_102 = tpu.memref_slice %arg4[%dma_wait3A_101, %add3A_100] : memref<16x1600000xf32, #tpu.memory_space<hbm>> -> memref<16x1664xf32, #tpu.memory_space<hbm>>
        %dma_wait3A_103 = arith.constant 0 : i32
        %dma_wait3A_104 = tpu.memref_slice %arg4[%dma_wait3A_103, %add3A_100] : memref<16x1600000xf32, #tpu.memory_space<hbm>> -> memref<16x1664xf32, #tpu.memory_space<hbm>>
        tpu.wait_dma2 semaphore(%arg10 : memref<!tpu.dma_semaphore, #tpu.memory_space<semaphore_mem>>) src(%arg8 : memref<16x1664xf32, #tpu.memory_space<vmem>>) dst(%dma_wait3A_104 : memref<16x1664xf32, #tpu.memory_space<hbm>>)
      } else {
      }
      %mul3A_81 = arith.constant 2 : i32
      %mul3A_82 = arith.muli %mul3A_81, %scan3A_59 : i32
      %add3A_83 = arith.constant 1 : i32
      %add3A_84 = arith.addi %mul3A_82, %add3A_83 : i32
      %parallel_loop3A_85 = arith.constant 0 : i32
      %parallel_loop3A_86 = arith.constant 104 : i32
      %parallel_loop3A_87 = arith.constant 1 : i32
      scf.for %parallel_loop3A_99 = %parallel_loop3A_85 to %parallel_loop3A_86 step %parallel_loop3A_87  : i32 {
        %parallel_loop3A_100 = arith.constant 1664 : i32
        %parallel_loop3A_101 = arith.muli %add3A_84, %parallel_loop3A_100 : i32
        %parallel_loop3A_102 = arith.constant 16 : i32
        %parallel_loop3A_103 = arith.muli %parallel_loop3A_99, %parallel_loop3A_102 : i32
        %parallel_loop3A_104 = arith.addi %parallel_loop3A_101, %parallel_loop3A_103 : i32
        %parallel_loop3A_105 = arith.index_cast %parallel_loop3A_104 : i32 to index
        %parallel_loop3A_106 = tpu.vector_load %arg6[%parallel_loop3A_105] {strides = array<i32>} : memref<50048xi32, #tpu.memory_space<vmem>>, vector<16xi32>,
        %parallel_loop3A_107 = arith.constant 16 : i32
        %parallel_loop3A_108 = vector.broadcast %parallel_loop3A_107 : i32 to vector<16xi32>
        %parallel_loop3A_109 = arith.muli %parallel_loop3A_106, %parallel_loop3A_108 : vector<16xi32>
        %parallel_loop3A_110 = arith.addi %parallel_loop3A_109, %mul3A_9 : vector<16xi32>
        %parallel_loop3A_111 = arith.addi %parallel_loop3A_110, %broadcast_in_dim3A_10 : vector<16xi32>
        %parallel_loop3A_112 = tpu.vector_load_idx %arg5[%parallel_loop3A_111] : memref<12816xf32, #tpu.memory_space<vmem>>[vector<16xi32>], vector<16xf32>,
        %parallel_loop3A_113 = arith.constant 16 : i32
        %parallel_loop3A_114 = arith.muli %parallel_loop3A_99, %parallel_loop3A_113 : i32
        %parallel_loop3A_115 = arith.constant 0 : i32
        %parallel_loop3A_116 = arith.index_cast %parallel_loop3A_115 : i32 to index
        %parallel_loop3A_117 = arith.index_cast %parallel_loop3A_114 : i32 to index
        %parallel_loop3A_118 = tpu.vector_load %arg8[%parallel_loop3A_116, %parallel_loop3A_117] {strides = array<i32>} : memref<16x1664xf32, #tpu.memory_space<vmem>>, vector<16xf32>,
        tpu.vector_store %arg8[%parallel_loop3A_116, %parallel_loop3A_117], %parallel_loop3A_112 {strides = array<i32>} : memref<16x1664xf32, #tpu.memory_space<vmem>>, vector<16xf32>,
        %parallel_loop3A_119 = arith.addi %parallel_loop3A_110, %broadcast_in_dim3A_12 : vector<16xi32>
        %parallel_loop3A_120 = tpu.vector_load_idx %arg5[%parallel_loop3A_119] : memref<12816xf32, #tpu.memory_space<vmem>>[vector<16xi32>], vector<16xf32>,
        %parallel_loop3A_121 = arith.constant 16 : i32
        %parallel_loop3A_122 = arith.muli %parallel_loop3A_99, %parallel_loop3A_121 : i32
        %parallel_loop3A_123 = arith.constant 1 : i32
        %parallel_loop3A_124 = arith.index_cast %parallel_loop3A_123 : i32 to index
        %parallel_loop3A_125 = arith.index_cast %parallel_loop3A_122 : i32 to index
        %parallel_loop3A_126 = tpu.vector_load %arg8[%parallel_loop3A_124, %parallel_loop3A_125] {strides = array<i32>} : memref<16x1664xf32, #tpu.memory_space<vmem>>, vector<16xf32>,
        tpu.vector_store %arg8[%parallel_loop3A_124, %parallel_loop3A_125], %parallel_loop3A_120 {strides = array<i32>} : memref<16x1664xf32, #tpu.memory_space<vmem>>, vector<16xf32>,
        %parallel_loop3A_127 = arith.addi %parallel_loop3A_110, %broadcast_in_dim3A_14 : vector<16xi32>
        %parallel_loop3A_128 = tpu.vector_load_idx %arg5[%parallel_loop3A_127] : memref<12816xf32, #tpu.memory_space<vmem>>[vector<16xi32>], vector<16xf32>,
        %parallel_loop3A_129 = arith.constant 16 : i32
        %parallel_loop3A_130 = arith.muli %parallel_loop3A_99, %parallel_loop3A_129 : i32
        %parallel_loop3A_131 = arith.constant 2 : i32
        %parallel_loop3A_132 = arith.index_cast %parallel_loop3A_131 : i32 to index
        %parallel_loop3A_133 = arith.index_cast %parallel_loop3A_130 : i32 to index
        %parallel_loop3A_134 = tpu.vector_load %arg8[%parallel_loop3A_132, %parallel_loop3A_133] {strides = array<i32>} : memref<16x1664xf32, #tpu.memory_space<vmem>>, vector<16xf32>,
        tpu.vector_store %arg8[%parallel_loop3A_132, %parallel_loop3A_133], %parallel_loop3A_128 {strides = array<i32>} : memref<16x1664xf32, #tpu.memory_space<vmem>>, vector<16xf32>,
        %parallel_loop3A_135 = arith.addi %parallel_loop3A_110, %broadcast_in_dim3A_16 : vector<16xi32>
        %parallel_loop3A_136 = tpu.vector_load_idx %arg5[%parallel_loop3A_135] : memref<12816xf32, #tpu.memory_space<vmem>>[vector<16xi32>], vector<16xf32>,
        %parallel_loop3A_137 = arith.constant 16 : i32
        %parallel_loop3A_138 = arith.muli %parallel_loop3A_99, %parallel_loop3A_137 : i32
        %parallel_loop3A_139 = arith.constant 3 : i32
        %parallel_loop3A_140 = arith.index_cast %parallel_loop3A_139 : i32 to index
        %parallel_loop3A_141 = arith.index_cast %parallel_loop3A_138 : i32 to index
        %parallel_loop3A_142 = tpu.vector_load %arg8[%parallel_loop3A_140, %parallel_loop3A_141] {strides = array<i32>} : memref<16x1664xf32, #tpu.memory_space<vmem>>, vector<16xf32>,
        tpu.vector_store %arg8[%parallel_loop3A_140, %parallel_loop3A_141], %parallel_loop3A_136 {strides = array<i32>} : memref<16x1664xf32, #tpu.memory_space<vmem>>, vector<16xf32>,
        %parallel_loop3A_143 = arith.addi %parallel_loop3A_110, %broadcast_in_dim3A_18 : vector<16xi32>
        %parallel_loop3A_144 = tpu.vector_load_idx %arg5[%parallel_loop3A_143] : memref<12816xf32, #tpu.memory_space<vmem>>[vector<16xi32>], vector<16xf32>,
        %parallel_loop3A_145 = arith.constant 16 : i32
        %parallel_loop3A_146 = arith.muli %parallel_loop3A_99, %parallel_loop3A_145 : i32
        %parallel_loop3A_147 = arith.constant 4 : i32
        %parallel_loop3A_148 = arith.index_cast %parallel_loop3A_147 : i32 to index
        %parallel_loop3A_149 = arith.index_cast %parallel_loop3A_146 : i32 to index
        %parallel_loop3A_150 = tpu.vector_load %arg8[%parallel_loop3A_148, %parallel_loop3A_149] {strides = array<i32>} : memref<16x1664xf32, #tpu.memory_space<vmem>>, vector<16xf32>,
        tpu.vector_store %arg8[%parallel_loop3A_148, %parallel_loop3A_149], %parallel_loop3A_144 {strides = array<i32>} : memref<16x1664xf32, #tpu.memory_space<vmem>>, vector<16xf32>,
        %parallel_loop3A_151 = arith.addi %parallel_loop3A_110, %broadcast_in_dim3A_20 : vector<16xi32>
        %parallel_loop3A_152 = tpu.vector_load_idx %arg5[%parallel_loop3A_151] : memref<12816xf32, #tpu.memory_space<vmem>>[vector<16xi32>], vector<16xf32>,
        %parallel_loop3A_153 = arith.constant 16 : i32
        %parallel_loop3A_154 = arith.muli %parallel_loop3A_99, %parallel_loop3A_153 : i32
        %parallel_loop3A_155 = arith.constant 5 : i32
        %parallel_loop3A_156 = arith.index_cast %parallel_loop3A_155 : i32 to index
        %parallel_loop3A_157 = arith.index_cast %parallel_loop3A_154 : i32 to index
        %parallel_loop3A_158 = tpu.vector_load %arg8[%parallel_loop3A_156, %parallel_loop3A_157] {strides = array<i32>} : memref<16x1664xf32, #tpu.memory_space<vmem>>, vector<16xf32>,
        tpu.vector_store %arg8[%parallel_loop3A_156, %parallel_loop3A_157], %parallel_loop3A_152 {strides = array<i32>} : memref<16x1664xf32, #tpu.memory_space<vmem>>, vector<16xf32>,
        %parallel_loop3A_159 = arith.addi %parallel_loop3A_110, %broadcast_in_dim3A_22 : vector<16xi32>
        %parallel_loop3A_160 = tpu.vector_load_idx %arg5[%parallel_loop3A_159] : memref<12816xf32, #tpu.memory_space<vmem>>[vector<16xi32>], vector<16xf32>,
        %parallel_loop3A_161 = arith.constant 16 : i32
        %parallel_loop3A_162 = arith.muli %parallel_loop3A_99, %parallel_loop3A_161 : i32
        %parallel_loop3A_163 = arith.constant 6 : i32
        %parallel_loop3A_164 = arith.index_cast %parallel_loop3A_163 : i32 to index
        %parallel_loop3A_165 = arith.index_cast %parallel_loop3A_162 : i32 to index
        %parallel_loop3A_166 = tpu.vector_load %arg8[%parallel_loop3A_164, %parallel_loop3A_165] {strides = array<i32>} : memref<16x1664xf32, #tpu.memory_space<vmem>>, vector<16xf32>,
        tpu.vector_store %arg8[%parallel_loop3A_164, %parallel_loop3A_165], %parallel_loop3A_160 {strides = array<i32>} : memref<16x1664xf32, #tpu.memory_space<vmem>>, vector<16xf32>,
        %parallel_loop3A_167 = arith.addi %parallel_loop3A_110, %broadcast_in_dim3A_24 : vector<16xi32>
        %parallel_loop3A_168 = tpu.vector_load_idx %arg5[%parallel_loop3A_167] : memref<12816xf32, #tpu.memory_space<vmem>>[vector<16xi32>], vector<16xf32>,
        %parallel_loop3A_169 = arith.constant 16 : i32
        %parallel_loop3A_170 = arith.muli %parallel_loop3A_99, %parallel_loop3A_169 : i32
        %parallel_loop3A_171 = arith.constant 7 : i32
        %parallel_loop3A_172 = arith.index_cast %parallel_loop3A_171 : i32 to index
        %parallel_loop3A_173 = arith.index_cast %parallel_loop3A_170 : i32 to index
        %parallel_loop3A_174 = tpu.vector_load %arg8[%parallel_loop3A_172, %parallel_loop3A_173] {strides = array<i32>} : memref<16x1664xf32, #tpu.memory_space<vmem>>, vector<16xf32>,
        tpu.vector_store %arg8[%parallel_loop3A_172, %parallel_loop3A_173], %parallel_loop3A_168 {strides = array<i32>} : memref<16x1664xf32, #tpu.memory_space<vmem>>, vector<16xf32>,
        %parallel_loop3A_175 = arith.addi %parallel_loop3A_110, %broadcast_in_dim3A_26 : vector<16xi32>
        %parallel_loop3A_176 = tpu.vector_load_idx %arg5[%parallel_loop3A_175] : memref<12816xf32, #tpu.memory_space<vmem>>[vector<16xi32>], vector<16xf32>,
        %parallel_loop3A_177 = arith.constant 16 : i32
        %parallel_loop3A_178 = arith.muli %parallel_loop3A_99, %parallel_loop3A_177 : i32
        %parallel_loop3A_179 = arith.constant 8 : i32
        %parallel_loop3A_180 = arith.index_cast %parallel_loop3A_179 : i32 to index
        %parallel_loop3A_181 = arith.index_cast %parallel_loop3A_178 : i32 to index
        %parallel_loop3A_182 = tpu.vector_load %arg8[%parallel_loop3A_180, %parallel_loop3A_181] {strides = array<i32>} : memref<16x1664xf32, #tpu.memory_space<vmem>>, vector<16xf32>,
        tpu.vector_store %arg8[%parallel_loop3A_180, %parallel_loop3A_181], %parallel_loop3A_176 {strides = array<i32>} : memref<16x1664xf32, #tpu.memory_space<vmem>>, vector<16xf32>,
        %parallel_loop3A_183 = arith.addi %parallel_loop3A_110, %broadcast_in_dim3A_28 : vector<16xi32>
        %parallel_loop3A_184 = tpu.vector_load_idx %arg5[%parallel_loop3A_183] : memref<12816xf32, #tpu.memory_space<vmem>>[vector<16xi32>], vector<16xf32>,
        %parallel_loop3A_185 = arith.constant 16 : i32
        %parallel_loop3A_186 = arith.muli %parallel_loop3A_99, %parallel_loop3A_185 : i32
        %parallel_loop3A_187 = arith.constant 9 : i32
        %parallel_loop3A_188 = arith.index_cast %parallel_loop3A_187 : i32 to index
        %parallel_loop3A_189 = arith.index_cast %parallel_loop3A_186 : i32 to index
        %parallel_loop3A_190 = tpu.vector_load %arg8[%parallel_loop3A_188, %parallel_loop3A_189] {strides = array<i32>} : memref<16x1664xf32, #tpu.memory_space<vmem>>, vector<16xf32>,
        tpu.vector_store %arg8[%parallel_loop3A_188, %parallel_loop3A_189], %parallel_loop3A_184 {strides = array<i32>} : memref<16x1664xf32, #tpu.memory_space<vmem>>, vector<16xf32>,
        %parallel_loop3A_191 = arith.addi %parallel_loop3A_110, %broadcast_in_dim3A_30 : vector<16xi32>
        %parallel_loop3A_192 = tpu.vector_load_idx %arg5[%parallel_loop3A_191] : memref<12816xf32, #tpu.memory_space<vmem>>[vector<16xi32>], vector<16xf32>,
        %parallel_loop3A_193 = arith.constant 16 : i32
        %parallel_loop3A_194 = arith.muli %parallel_loop3A_99, %parallel_loop3A_193 : i32
        %parallel_loop3A_195 = arith.constant 10 : i32
        %parallel_loop3A_196 = arith.index_cast %parallel_loop3A_195 : i32 to index
        %parallel_loop3A_197 = arith.index_cast %parallel_loop3A_194 : i32 to index
        %parallel_loop3A_198 = tpu.vector_load %arg8[%parallel_loop3A_196, %parallel_loop3A_197] {strides = array<i32>} : memref<16x1664xf32, #tpu.memory_space<vmem>>, vector<16xf32>,
        tpu.vector_store %arg8[%parallel_loop3A_196, %parallel_loop3A_197], %parallel_loop3A_192 {strides = array<i32>} : memref<16x1664xf32, #tpu.memory_space<vmem>>, vector<16xf32>,
        %parallel_loop3A_199 = arith.addi %parallel_loop3A_110, %broadcast_in_dim3A_32 : vector<16xi32>
        %parallel_loop3A_200 = tpu.vector_load_idx %arg5[%parallel_loop3A_199] : memref<12816xf32, #tpu.memory_space<vmem>>[vector<16xi32>], vector<16xf32>,
        %parallel_loop3A_201 = arith.constant 16 : i32
        %parallel_loop3A_202 = arith.muli %parallel_loop3A_99, %parallel_loop3A_201 : i32
        %parallel_loop3A_203 = arith.constant 11 : i32
        %parallel_loop3A_204 = arith.index_cast %parallel_loop3A_203 : i32 to index
        %parallel_loop3A_205 = arith.index_cast %parallel_loop3A_202 : i32 to index
        %parallel_loop3A_206 = tpu.vector_load %arg8[%parallel_loop3A_204, %parallel_loop3A_205] {strides = array<i32>} : memref<16x1664xf32, #tpu.memory_space<vmem>>, vector<16xf32>,
        tpu.vector_store %arg8[%parallel_loop3A_204, %parallel_loop3A_205], %parallel_loop3A_200 {strides = array<i32>} : memref<16x1664xf32, #tpu.memory_space<vmem>>, vector<16xf32>,
        %parallel_loop3A_207 = arith.addi %parallel_loop3A_110, %broadcast_in_dim3A_34 : vector<16xi32>
        %parallel_loop3A_208 = tpu.vector_load_idx %arg5[%parallel_loop3A_207] : memref<12816xf32, #tpu.memory_space<vmem>>[vector<16xi32>], vector<16xf32>,
        %parallel_loop3A_209 = arith.constant 16 : i32
        %parallel_loop3A_210 = arith.muli %parallel_loop3A_99, %parallel_loop3A_209 : i32
        %parallel_loop3A_211 = arith.constant 12 : i32
        %parallel_loop3A_212 = arith.index_cast %parallel_loop3A_211 : i32 to index
        %parallel_loop3A_213 = arith.index_cast %parallel_loop3A_210 : i32 to index
        %parallel_loop3A_214 = tpu.vector_load %arg8[%parallel_loop3A_212, %parallel_loop3A_213] {strides = array<i32>} : memref<16x1664xf32, #tpu.memory_space<vmem>>, vector<16xf32>,
        tpu.vector_store %arg8[%parallel_loop3A_212, %parallel_loop3A_213], %parallel_loop3A_208 {strides = array<i32>} : memref<16x1664xf32, #tpu.memory_space<vmem>>, vector<16xf32>,
        %parallel_loop3A_215 = arith.addi %parallel_loop3A_110, %broadcast_in_dim3A_36 : vector<16xi32>
        %parallel_loop3A_216 = tpu.vector_load_idx %arg5[%parallel_loop3A_215] : memref<12816xf32, #tpu.memory_space<vmem>>[vector<16xi32>], vector<16xf32>,
        %parallel_loop3A_217 = arith.constant 16 : i32
        %parallel_loop3A_218 = arith.muli %parallel_loop3A_99, %parallel_loop3A_217 : i32
        %parallel_loop3A_219 = arith.constant 13 : i32
        %parallel_loop3A_220 = arith.index_cast %parallel_loop3A_219 : i32 to index
        %parallel_loop3A_221 = arith.index_cast %parallel_loop3A_218 : i32 to index
        %parallel_loop3A_222 = tpu.vector_load %arg8[%parallel_loop3A_220, %parallel_loop3A_221] {strides = array<i32>} : memref<16x1664xf32, #tpu.memory_space<vmem>>, vector<16xf32>,
        tpu.vector_store %arg8[%parallel_loop3A_220, %parallel_loop3A_221], %parallel_loop3A_216 {strides = array<i32>} : memref<16x1664xf32, #tpu.memory_space<vmem>>, vector<16xf32>,
        %parallel_loop3A_223 = arith.addi %parallel_loop3A_110, %broadcast_in_dim3A_38 : vector<16xi32>
        %parallel_loop3A_224 = tpu.vector_load_idx %arg5[%parallel_loop3A_223] : memref<12816xf32, #tpu.memory_space<vmem>>[vector<16xi32>], vector<16xf32>,
        %parallel_loop3A_225 = arith.constant 16 : i32
        %parallel_loop3A_226 = arith.muli %parallel_loop3A_99, %parallel_loop3A_225 : i32
        %parallel_loop3A_227 = arith.constant 14 : i32
        %parallel_loop3A_228 = arith.index_cast %parallel_loop3A_227 : i32 to index
        %parallel_loop3A_229 = arith.index_cast %parallel_loop3A_226 : i32 to index
        %parallel_loop3A_230 = tpu.vector_load %arg8[%parallel_loop3A_228, %parallel_loop3A_229] {strides = array<i32>} : memref<16x1664xf32, #tpu.memory_space<vmem>>, vector<16xf32>,
        tpu.vector_store %arg8[%parallel_loop3A_228, %parallel_loop3A_229], %parallel_loop3A_224 {strides = array<i32>} : memref<16x1664xf32, #tpu.memory_space<vmem>>, vector<16xf32>,
        %parallel_loop3A_231 = arith.addi %parallel_loop3A_110, %broadcast_in_dim3A_40 : vector<16xi32>
        %parallel_loop3A_232 = tpu.vector_load_idx %arg5[%parallel_loop3A_231] : memref<12816xf32, #tpu.memory_space<vmem>>[vector<16xi32>], vector<16xf32>,
        %parallel_loop3A_233 = arith.constant 16 : i32
        %parallel_loop3A_234 = arith.muli %parallel_loop3A_99, %parallel_loop3A_233 : i32
        %parallel_loop3A_235 = arith.constant 15 : i32
        %parallel_loop3A_236 = arith.index_cast %parallel_loop3A_235 : i32 to index
        %parallel_loop3A_237 = arith.index_cast %parallel_loop3A_234 : i32 to index
        %parallel_loop3A_238 = tpu.vector_load %arg8[%parallel_loop3A_236, %parallel_loop3A_237] {strides = array<i32>} : memref<16x1664xf32, #tpu.memory_space<vmem>>, vector<16xf32>,
        tpu.vector_store %arg8[%parallel_loop3A_236, %parallel_loop3A_237], %parallel_loop3A_232 {strides = array<i32>} : memref<16x1664xf32, #tpu.memory_space<vmem>>, vector<16xf32>,
      } {sc.loop_unroll_factor = 1 : i64, sc.parallel_access}
      %mul3A_88 = arith.constant 2 : i32
      %mul3A_89 = arith.muli %mul3A_88, %scan3A_59 : i32
      %add3A_90 = arith.constant 1 : i32
      %add3A_91 = arith.addi %mul3A_89, %add3A_90 : i32
      %mul3A_92 = arith.constant 1664 : i32
      %mul3A_93 = arith.muli %add3A_91, %mul3A_92 : i32
      %add3A_94 = arith.addi %mul3A_6, %mul3A_93 : i32
      %dma_start3A_95 = arith.constant 0 : i32
      %dma_start3A_96 = tpu.memref_slice %arg4[%dma_start3A_95, %add3A_94] : memref<16x1600000xf32, #tpu.memory_space<hbm>> -> memref<16x1664xf32, #tpu.memory_space<hbm>>
      %dma_start3A_97 = arith.constant 0 : i32
      %dma_start3A_98 = tpu.memref_slice %arg4[%dma_start3A_97, %add3A_94] : memref<16x1600000xf32, #tpu.memory_space<hbm>> -> memref<16x1664xf32, #tpu.memory_space<hbm>>
      tpu.enqueue_dma source(%arg8 : memref<16x1664xf32, #tpu.memory_space<vmem>>) target(%dma_start3A_98 : memref<16x1664xf32, #tpu.memory_space<hbm>>) target_semaphore(%arg10 : memref<!tpu.dma_semaphore, #tpu.memory_space<semaphore_mem>>)
    }
    %scan3A_45 = arith.constant 15 : i32
    %add3A_46 = arith.constant 0 : i32
    %add3A_47 = arith.addi %mul3A_6, %add3A_46 : i32
    %dma_wait3A = arith.constant 0 : i32
    %dma_wait3A_48 = tpu.memref_slice %arg4[%dma_wait3A, %add3A_47] : memref<16x1600000xf32, #tpu.memory_space<hbm>> -> memref<16x1664xf32, #tpu.memory_space<hbm>>
    %dma_wait3A_49 = arith.constant 0 : i32
    %dma_wait3A_50 = tpu.memref_slice %arg4[%dma_wait3A_49, %add3A_47] : memref<16x1600000xf32, #tpu.memory_space<hbm>> -> memref<16x1664xf32, #tpu.memory_space<hbm>>
    tpu.wait_dma2 semaphore(%arg9 : memref<!tpu.dma_semaphore, #tpu.memory_space<semaphore_mem>>) src(%arg7 : memref<16x1664xf32, #tpu.memory_space<vmem>>) dst(%dma_wait3A_50 : memref<16x1664xf32, #tpu.memory_space<hbm>>)
    %add3A_51 = arith.constant 0 : i32
    %add3A_52 = arith.addi %mul3A_6, %add3A_51 : i32
    %dma_wait3A_53 = arith.constant 0 : i32
    %dma_wait3A_54 = tpu.memref_slice %arg4[%dma_wait3A_53, %add3A_52] : memref<16x1600000xf32, #tpu.memory_space<hbm>> -> memref<16x1664xf32, #tpu.memory_space<hbm>>
    %dma_wait3A_55 = arith.constant 0 : i32
    %dma_wait3A_56 = tpu.memref_slice %arg4[%dma_wait3A_55, %add3A_52] : memref<16x1600000xf32, #tpu.memory_space<hbm>> -> memref<16x1664xf32, #tpu.memory_space<hbm>>
    tpu.wait_dma2 semaphore(%arg10 : memref<!tpu.dma_semaphore, #tpu.memory_space<semaphore_mem>>) src(%arg8 : memref<16x1664xf32, #tpu.memory_space<vmem>>) dst(%dma_wait3A_56 : memref<16x1664xf32, #tpu.memory_space<hbm>>)
    %lt3A = arith.constant 20 : i32
    %lt3A_57 = arith.cmpi slt, %add3A, %lt3A : i32
    %convert_element_type3A = arith.extui %lt3A_57 : i1 to i32
    %cond3A = arith.constant 0 : i32
    %cond3A_58 = arith.cmpi ne, %convert_element_type3A, %cond3A : i32
    scf.if %cond3A_58 {
      %add3A_59 = arith.constant 49920 : i32
      %add3A_60 = arith.addi %mul3A_6, %add3A_59 : i32
      "tpu.region"() ({
        %run_scoped3A = tpu.sem_alloc : memref<!tpu.dma_semaphore, #tpu.memory_space<semaphore_mem>>
        %dma_start3A = arith.constant 49920 : i32
        %dma_start3A_65 = tpu.memref_slice %arg6[%dma_start3A] : memref<50048xi32, #tpu.memory_space<vmem>> -> memref<128xi32, #tpu.memory_space<vmem>>
        %dma_start3A_66 = tpu.memref_slice %arg3[%add3A_60] : memref<1600000xi32, #tpu.memory_space<hbm>> -> memref<128xi32, #tpu.memory_space<hbm>>
        %dma_start3A_67 = arith.constant 49920 : i32
        %dma_start3A_68 = tpu.memref_slice %arg6[%dma_start3A_67] : memref<50048xi32, #tpu.memory_space<vmem>> -> memref<128xi32, #tpu.memory_space<vmem>>
        %dma_start3A_69 = tpu.memref_slice %arg3[%add3A_60] : memref<1600000xi32, #tpu.memory_space<hbm>> -> memref<128xi32, #tpu.memory_space<hbm>>
        tpu.enqueue_dma source(%dma_start3A_69 : memref<128xi32, #tpu.memory_space<hbm>>) target(%dma_start3A_68 : memref<128xi32, #tpu.memory_space<vmem>>) target_semaphore(%run_scoped3A : memref<!tpu.dma_semaphore, #tpu.memory_space<semaphore_mem>>)
        %dma_wait3A_70 = arith.constant 49920 : i32
        %dma_wait3A_71 = tpu.memref_slice %arg6[%dma_wait3A_70] : memref<50048xi32, #tpu.memory_space<vmem>> -> memref<128xi32, #tpu.memory_space<vmem>>
        %dma_wait3A_72 = tpu.memref_slice %arg3[%add3A_60] : memref<1600000xi32, #tpu.memory_space<hbm>> -> memref<128xi32, #tpu.memory_space<hbm>>
        %dma_wait3A_73 = arith.constant 49920 : i32
        %dma_wait3A_74 = tpu.memref_slice %arg6[%dma_wait3A_73] : memref<50048xi32, #tpu.memory_space<vmem>> -> memref<128xi32, #tpu.memory_space<vmem>>
        %dma_wait3A_75 = tpu.memref_slice %arg3[%add3A_60] : memref<1600000xi32, #tpu.memory_space<hbm>> -> memref<128xi32, #tpu.memory_space<hbm>>
        tpu.wait_dma2 semaphore(%run_scoped3A : memref<!tpu.dma_semaphore, #tpu.memory_space<semaphore_mem>>) src(%dma_wait3A_75 : memref<128xi32, #tpu.memory_space<hbm>>) dst(%dma_wait3A_74 : memref<128xi32, #tpu.memory_space<vmem>>)
        tpu.yield
      }) : () -> ()
      %parallel_loop3A = arith.constant 0 : i32
      %parallel_loop3A_61 = arith.constant 8 : i32
      %parallel_loop3A_62 = arith.constant 1 : i32
      scf.for %parallel_loop3A_65 = %parallel_loop3A to %parallel_loop3A_61 step %parallel_loop3A_62  : i32 {
        %parallel_loop3A_66 = arith.constant 16 : i32
        %parallel_loop3A_67 = arith.muli %parallel_loop3A_65, %parallel_loop3A_66 : i32
        %parallel_loop3A_68 = arith.constant 49920 : i32
        %parallel_loop3A_69 = arith.addi %parallel_loop3A_68, %parallel_loop3A_67 : i32
        %parallel_loop3A_70 = arith.index_cast %parallel_loop3A_69 : i32 to index
        %parallel_loop3A_71 = tpu.vector_load %arg6[%parallel_loop3A_70] {strides = array<i32>} : memref<50048xi32, #tpu.memory_space<vmem>>, vector<16xi32>,
        %parallel_loop3A_72 = arith.constant 16 : i32
        %parallel_loop3A_73 = vector.broadcast %parallel_loop3A_72 : i32 to vector<16xi32>
        %parallel_loop3A_74 = arith.muli %parallel_loop3A_71, %parallel_loop3A_73 : vector<16xi32>
        %parallel_loop3A_75 = arith.addi %parallel_loop3A_74, %mul3A_9 : vector<16xi32>
        %parallel_loop3A_76 = arith.addi %parallel_loop3A_75, %broadcast_in_dim3A_10 : vector<16xi32>
        %parallel_loop3A_77 = tpu.vector_load_idx %arg5[%parallel_loop3A_76] : memref<12816xf32, #tpu.memory_space<vmem>>[vector<16xi32>], vector<16xf32>,
        %parallel_loop3A_78 = arith.constant 16 : i32
        %parallel_loop3A_79 = arith.muli %parallel_loop3A_65, %parallel_loop3A_78 : i32
        %parallel_loop3A_80 = arith.constant 0 : i32
        %parallel_loop3A_81 = arith.index_cast %parallel_loop3A_80 : i32 to index
        %parallel_loop3A_82 = arith.index_cast %parallel_loop3A_79 : i32 to index
        %parallel_loop3A_83 = tpu.vector_load %arg7[%parallel_loop3A_81, %parallel_loop3A_82] {strides = array<i32>} : memref<16x1664xf32, #tpu.memory_space<vmem>>, vector<16xf32>,
        tpu.vector_store %arg7[%parallel_loop3A_81, %parallel_loop3A_82], %parallel_loop3A_77 {strides = array<i32>} : memref<16x1664xf32, #tpu.memory_space<vmem>>, vector<16xf32>,
        %parallel_loop3A_84 = arith.addi %parallel_loop3A_75, %broadcast_in_dim3A_12 : vector<16xi32>
        %parallel_loop3A_85 = tpu.vector_load_idx %arg5[%parallel_loop3A_84] : memref<12816xf32, #tpu.memory_space<vmem>>[vector<16xi32>], vector<16xf32>,
        %parallel_loop3A_86 = arith.constant 16 : i32
        %parallel_loop3A_87 = arith.muli %parallel_loop3A_65, %parallel_loop3A_86 : i32
        %parallel_loop3A_88 = arith.constant 1 : i32
        %parallel_loop3A_89 = arith.index_cast %parallel_loop3A_88 : i32 to index
        %parallel_loop3A_90 = arith.index_cast %parallel_loop3A_87 : i32 to index
        %parallel_loop3A_91 = tpu.vector_load %arg7[%parallel_loop3A_89, %parallel_loop3A_90] {strides = array<i32>} : memref<16x1664xf32, #tpu.memory_space<vmem>>, vector<16xf32>,
        tpu.vector_store %arg7[%parallel_loop3A_89, %parallel_loop3A_90], %parallel_loop3A_85 {strides = array<i32>} : memref<16x1664xf32, #tpu.memory_space<vmem>>, vector<16xf32>,
        %parallel_loop3A_92 = arith.addi %parallel_loop3A_75, %broadcast_in_dim3A_14 : vector<16xi32>
        %parallel_loop3A_93 = tpu.vector_load_idx %arg5[%parallel_loop3A_92] : memref<12816xf32, #tpu.memory_space<vmem>>[vector<16xi32>], vector<16xf32>,
        %parallel_loop3A_94 = arith.constant 16 : i32
        %parallel_loop3A_95 = arith.muli %parallel_loop3A_65, %parallel_loop3A_94 : i32
        %parallel_loop3A_96 = arith.constant 2 : i32
        %parallel_loop3A_97 = arith.index_cast %parallel_loop3A_96 : i32 to index
        %parallel_loop3A_98 = arith.index_cast %parallel_loop3A_95 : i32 to index
        %parallel_loop3A_99 = tpu.vector_load %arg7[%parallel_loop3A_97, %parallel_loop3A_98] {strides = array<i32>} : memref<16x1664xf32, #tpu.memory_space<vmem>>, vector<16xf32>,
        tpu.vector_store %arg7[%parallel_loop3A_97, %parallel_loop3A_98], %parallel_loop3A_93 {strides = array<i32>} : memref<16x1664xf32, #tpu.memory_space<vmem>>, vector<16xf32>,
        %parallel_loop3A_100 = arith.addi %parallel_loop3A_75, %broadcast_in_dim3A_16 : vector<16xi32>
        %parallel_loop3A_101 = tpu.vector_load_idx %arg5[%parallel_loop3A_100] : memref<12816xf32, #tpu.memory_space<vmem>>[vector<16xi32>], vector<16xf32>,
        %parallel_loop3A_102 = arith.constant 16 : i32
        %parallel_loop3A_103 = arith.muli %parallel_loop3A_65, %parallel_loop3A_102 : i32
        %parallel_loop3A_104 = arith.constant 3 : i32
        %parallel_loop3A_105 = arith.index_cast %parallel_loop3A_104 : i32 to index
        %parallel_loop3A_106 = arith.index_cast %parallel_loop3A_103 : i32 to index
        %parallel_loop3A_107 = tpu.vector_load %arg7[%parallel_loop3A_105, %parallel_loop3A_106] {strides = array<i32>} : memref<16x1664xf32, #tpu.memory_space<vmem>>, vector<16xf32>,
        tpu.vector_store %arg7[%parallel_loop3A_105, %parallel_loop3A_106], %parallel_loop3A_101 {strides = array<i32>} : memref<16x1664xf32, #tpu.memory_space<vmem>>, vector<16xf32>,
        %parallel_loop3A_108 = arith.addi %parallel_loop3A_75, %broadcast_in_dim3A_18 : vector<16xi32>
        %parallel_loop3A_109 = tpu.vector_load_idx %arg5[%parallel_loop3A_108] : memref<12816xf32, #tpu.memory_space<vmem>>[vector<16xi32>], vector<16xf32>,
        %parallel_loop3A_110 = arith.constant 16 : i32
        %parallel_loop3A_111 = arith.muli %parallel_loop3A_65, %parallel_loop3A_110 : i32
        %parallel_loop3A_112 = arith.constant 4 : i32
        %parallel_loop3A_113 = arith.index_cast %parallel_loop3A_112 : i32 to index
        %parallel_loop3A_114 = arith.index_cast %parallel_loop3A_111 : i32 to index
        %parallel_loop3A_115 = tpu.vector_load %arg7[%parallel_loop3A_113, %parallel_loop3A_114] {strides = array<i32>} : memref<16x1664xf32, #tpu.memory_space<vmem>>, vector<16xf32>,
        tpu.vector_store %arg7[%parallel_loop3A_113, %parallel_loop3A_114], %parallel_loop3A_109 {strides = array<i32>} : memref<16x1664xf32, #tpu.memory_space<vmem>>, vector<16xf32>,
        %parallel_loop3A_116 = arith.addi %parallel_loop3A_75, %broadcast_in_dim3A_20 : vector<16xi32>
        %parallel_loop3A_117 = tpu.vector_load_idx %arg5[%parallel_loop3A_116] : memref<12816xf32, #tpu.memory_space<vmem>>[vector<16xi32>], vector<16xf32>,
        %parallel_loop3A_118 = arith.constant 16 : i32
        %parallel_loop3A_119 = arith.muli %parallel_loop3A_65, %parallel_loop3A_118 : i32
        %parallel_loop3A_120 = arith.constant 5 : i32
        %parallel_loop3A_121 = arith.index_cast %parallel_loop3A_120 : i32 to index
        %parallel_loop3A_122 = arith.index_cast %parallel_loop3A_119 : i32 to index
        %parallel_loop3A_123 = tpu.vector_load %arg7[%parallel_loop3A_121, %parallel_loop3A_122] {strides = array<i32>} : memref<16x1664xf32, #tpu.memory_space<vmem>>, vector<16xf32>,
        tpu.vector_store %arg7[%parallel_loop3A_121, %parallel_loop3A_122], %parallel_loop3A_117 {strides = array<i32>} : memref<16x1664xf32, #tpu.memory_space<vmem>>, vector<16xf32>,
        %parallel_loop3A_124 = arith.addi %parallel_loop3A_75, %broadcast_in_dim3A_22 : vector<16xi32>
        %parallel_loop3A_125 = tpu.vector_load_idx %arg5[%parallel_loop3A_124] : memref<12816xf32, #tpu.memory_space<vmem>>[vector<16xi32>], vector<16xf32>,
        %parallel_loop3A_126 = arith.constant 16 : i32
        %parallel_loop3A_127 = arith.muli %parallel_loop3A_65, %parallel_loop3A_126 : i32
        %parallel_loop3A_128 = arith.constant 6 : i32
        %parallel_loop3A_129 = arith.index_cast %parallel_loop3A_128 : i32 to index
        %parallel_loop3A_130 = arith.index_cast %parallel_loop3A_127 : i32 to index
        %parallel_loop3A_131 = tpu.vector_load %arg7[%parallel_loop3A_129, %parallel_loop3A_130] {strides = array<i32>} : memref<16x1664xf32, #tpu.memory_space<vmem>>, vector<16xf32>,
        tpu.vector_store %arg7[%parallel_loop3A_129, %parallel_loop3A_130], %parallel_loop3A_125 {strides = array<i32>} : memref<16x1664xf32, #tpu.memory_space<vmem>>, vector<16xf32>,
        %parallel_loop3A_132 = arith.addi %parallel_loop3A_75, %broadcast_in_dim3A_24 : vector<16xi32>
        %parallel_loop3A_133 = tpu.vector_load_idx %arg5[%parallel_loop3A_132] : memref<12816xf32, #tpu.memory_space<vmem>>[vector<16xi32>], vector<16xf32>,
        %parallel_loop3A_134 = arith.constant 16 : i32
        %parallel_loop3A_135 = arith.muli %parallel_loop3A_65, %parallel_loop3A_134 : i32
        %parallel_loop3A_136 = arith.constant 7 : i32
        %parallel_loop3A_137 = arith.index_cast %parallel_loop3A_136 : i32 to index
        %parallel_loop3A_138 = arith.index_cast %parallel_loop3A_135 : i32 to index
        %parallel_loop3A_139 = tpu.vector_load %arg7[%parallel_loop3A_137, %parallel_loop3A_138] {strides = array<i32>} : memref<16x1664xf32, #tpu.memory_space<vmem>>, vector<16xf32>,
        tpu.vector_store %arg7[%parallel_loop3A_137, %parallel_loop3A_138], %parallel_loop3A_133 {strides = array<i32>} : memref<16x1664xf32, #tpu.memory_space<vmem>>, vector<16xf32>,
        %parallel_loop3A_140 = arith.addi %parallel_loop3A_75, %broadcast_in_dim3A_26 : vector<16xi32>
        %parallel_loop3A_141 = tpu.vector_load_idx %arg5[%parallel_loop3A_140] : memref<12816xf32, #tpu.memory_space<vmem>>[vector<16xi32>], vector<16xf32>,
        %parallel_loop3A_142 = arith.constant 16 : i32
        %parallel_loop3A_143 = arith.muli %parallel_loop3A_65, %parallel_loop3A_142 : i32
        %parallel_loop3A_144 = arith.constant 8 : i32
        %parallel_loop3A_145 = arith.index_cast %parallel_loop3A_144 : i32 to index
        %parallel_loop3A_146 = arith.index_cast %parallel_loop3A_143 : i32 to index
        %parallel_loop3A_147 = tpu.vector_load %arg7[%parallel_loop3A_145, %parallel_loop3A_146] {strides = array<i32>} : memref<16x1664xf32, #tpu.memory_space<vmem>>, vector<16xf32>,
        tpu.vector_store %arg7[%parallel_loop3A_145, %parallel_loop3A_146], %parallel_loop3A_141 {strides = array<i32>} : memref<16x1664xf32, #tpu.memory_space<vmem>>, vector<16xf32>,
        %parallel_loop3A_148 = arith.addi %parallel_loop3A_75, %broadcast_in_dim3A_28 : vector<16xi32>
        %parallel_loop3A_149 = tpu.vector_load_idx %arg5[%parallel_loop3A_148] : memref<12816xf32, #tpu.memory_space<vmem>>[vector<16xi32>], vector<16xf32>,
        %parallel_loop3A_150 = arith.constant 16 : i32
        %parallel_loop3A_151 = arith.muli %parallel_loop3A_65, %parallel_loop3A_150 : i32
        %parallel_loop3A_152 = arith.constant 9 : i32
        %parallel_loop3A_153 = arith.index_cast %parallel_loop3A_152 : i32 to index
        %parallel_loop3A_154 = arith.index_cast %parallel_loop3A_151 : i32 to index
        %parallel_loop3A_155 = tpu.vector_load %arg7[%parallel_loop3A_153, %parallel_loop3A_154] {strides = array<i32>} : memref<16x1664xf32, #tpu.memory_space<vmem>>, vector<16xf32>,
        tpu.vector_store %arg7[%parallel_loop3A_153, %parallel_loop3A_154], %parallel_loop3A_149 {strides = array<i32>} : memref<16x1664xf32, #tpu.memory_space<vmem>>, vector<16xf32>,
        %parallel_loop3A_156 = arith.addi %parallel_loop3A_75, %broadcast_in_dim3A_30 : vector<16xi32>
        %parallel_loop3A_157 = tpu.vector_load_idx %arg5[%parallel_loop3A_156] : memref<12816xf32, #tpu.memory_space<vmem>>[vector<16xi32>], vector<16xf32>,
        %parallel_loop3A_158 = arith.constant 16 : i32
        %parallel_loop3A_159 = arith.muli %parallel_loop3A_65, %parallel_loop3A_158 : i32
        %parallel_loop3A_160 = arith.constant 10 : i32
        %parallel_loop3A_161 = arith.index_cast %parallel_loop3A_160 : i32 to index
        %parallel_loop3A_162 = arith.index_cast %parallel_loop3A_159 : i32 to index
        %parallel_loop3A_163 = tpu.vector_load %arg7[%parallel_loop3A_161, %parallel_loop3A_162] {strides = array<i32>} : memref<16x1664xf32, #tpu.memory_space<vmem>>, vector<16xf32>,
        tpu.vector_store %arg7[%parallel_loop3A_161, %parallel_loop3A_162], %parallel_loop3A_157 {strides = array<i32>} : memref<16x1664xf32, #tpu.memory_space<vmem>>, vector<16xf32>,
        %parallel_loop3A_164 = arith.addi %parallel_loop3A_75, %broadcast_in_dim3A_32 : vector<16xi32>
        %parallel_loop3A_165 = tpu.vector_load_idx %arg5[%parallel_loop3A_164] : memref<12816xf32, #tpu.memory_space<vmem>>[vector<16xi32>], vector<16xf32>,
        %parallel_loop3A_166 = arith.constant 16 : i32
        %parallel_loop3A_167 = arith.muli %parallel_loop3A_65, %parallel_loop3A_166 : i32
        %parallel_loop3A_168 = arith.constant 11 : i32
        %parallel_loop3A_169 = arith.index_cast %parallel_loop3A_168 : i32 to index
        %parallel_loop3A_170 = arith.index_cast %parallel_loop3A_167 : i32 to index
        %parallel_loop3A_171 = tpu.vector_load %arg7[%parallel_loop3A_169, %parallel_loop3A_170] {strides = array<i32>} : memref<16x1664xf32, #tpu.memory_space<vmem>>, vector<16xf32>,
        tpu.vector_store %arg7[%parallel_loop3A_169, %parallel_loop3A_170], %parallel_loop3A_165 {strides = array<i32>} : memref<16x1664xf32, #tpu.memory_space<vmem>>, vector<16xf32>,
        %parallel_loop3A_172 = arith.addi %parallel_loop3A_75, %broadcast_in_dim3A_34 : vector<16xi32>
        %parallel_loop3A_173 = tpu.vector_load_idx %arg5[%parallel_loop3A_172] : memref<12816xf32, #tpu.memory_space<vmem>>[vector<16xi32>], vector<16xf32>,
        %parallel_loop3A_174 = arith.constant 16 : i32
        %parallel_loop3A_175 = arith.muli %parallel_loop3A_65, %parallel_loop3A_174 : i32
        %parallel_loop3A_176 = arith.constant 12 : i32
        %parallel_loop3A_177 = arith.index_cast %parallel_loop3A_176 : i32 to index
        %parallel_loop3A_178 = arith.index_cast %parallel_loop3A_175 : i32 to index
        %parallel_loop3A_179 = tpu.vector_load %arg7[%parallel_loop3A_177, %parallel_loop3A_178] {strides = array<i32>} : memref<16x1664xf32, #tpu.memory_space<vmem>>, vector<16xf32>,
        tpu.vector_store %arg7[%parallel_loop3A_177, %parallel_loop3A_178], %parallel_loop3A_173 {strides = array<i32>} : memref<16x1664xf32, #tpu.memory_space<vmem>>, vector<16xf32>,
        %parallel_loop3A_180 = arith.addi %parallel_loop3A_75, %broadcast_in_dim3A_36 : vector<16xi32>
        %parallel_loop3A_181 = tpu.vector_load_idx %arg5[%parallel_loop3A_180] : memref<12816xf32, #tpu.memory_space<vmem>>[vector<16xi32>], vector<16xf32>,
        %parallel_loop3A_182 = arith.constant 16 : i32
        %parallel_loop3A_183 = arith.muli %parallel_loop3A_65, %parallel_loop3A_182 : i32
        %parallel_loop3A_184 = arith.constant 13 : i32
        %parallel_loop3A_185 = arith.index_cast %parallel_loop3A_184 : i32 to index
        %parallel_loop3A_186 = arith.index_cast %parallel_loop3A_183 : i32 to index
        %parallel_loop3A_187 = tpu.vector_load %arg7[%parallel_loop3A_185, %parallel_loop3A_186] {strides = array<i32>} : memref<16x1664xf32, #tpu.memory_space<vmem>>, vector<16xf32>,
        tpu.vector_store %arg7[%parallel_loop3A_185, %parallel_loop3A_186], %parallel_loop3A_181 {strides = array<i32>} : memref<16x1664xf32, #tpu.memory_space<vmem>>, vector<16xf32>,
        %parallel_loop3A_188 = arith.addi %parallel_loop3A_75, %broadcast_in_dim3A_38 : vector<16xi32>
        %parallel_loop3A_189 = tpu.vector_load_idx %arg5[%parallel_loop3A_188] : memref<12816xf32, #tpu.memory_space<vmem>>[vector<16xi32>], vector<16xf32>,
        %parallel_loop3A_190 = arith.constant 16 : i32
        %parallel_loop3A_191 = arith.muli %parallel_loop3A_65, %parallel_loop3A_190 : i32
        %parallel_loop3A_192 = arith.constant 14 : i32
        %parallel_loop3A_193 = arith.index_cast %parallel_loop3A_192 : i32 to index
        %parallel_loop3A_194 = arith.index_cast %parallel_loop3A_191 : i32 to index
        %parallel_loop3A_195 = tpu.vector_load %arg7[%parallel_loop3A_193, %parallel_loop3A_194] {strides = array<i32>} : memref<16x1664xf32, #tpu.memory_space<vmem>>, vector<16xf32>,
        tpu.vector_store %arg7[%parallel_loop3A_193, %parallel_loop3A_194], %parallel_loop3A_189 {strides = array<i32>} : memref<16x1664xf32, #tpu.memory_space<vmem>>, vector<16xf32>,
        %parallel_loop3A_196 = arith.addi %parallel_loop3A_75, %broadcast_in_dim3A_40 : vector<16xi32>
        %parallel_loop3A_197 = tpu.vector_load_idx %arg5[%parallel_loop3A_196] : memref<12816xf32, #tpu.memory_space<vmem>>[vector<16xi32>], vector<16xf32>,
        %parallel_loop3A_198 = arith.constant 16 : i32
        %parallel_loop3A_199 = arith.muli %parallel_loop3A_65, %parallel_loop3A_198 : i32
        %parallel_loop3A_200 = arith.constant 15 : i32
        %parallel_loop3A_201 = arith.index_cast %parallel_loop3A_200 : i32 to index
        %parallel_loop3A_202 = arith.index_cast %parallel_loop3A_199 : i32 to index
        %parallel_loop3A_203 = tpu.vector_load %arg7[%parallel_loop3A_201, %parallel_loop3A_202] {strides = array<i32>} : memref<16x1664xf32, #tpu.memory_space<vmem>>, vector<16xf32>,
        tpu.vector_store %arg7[%parallel_loop3A_201, %parallel_loop3A_202], %parallel_loop3A_197 {strides = array<i32>} : memref<16x1664xf32, #tpu.memory_space<vmem>>, vector<16xf32>,
      } {sc.loop_unroll_factor = 1 : i64, sc.parallel_access}
      %add3A_63 = arith.constant 49920 : i32
      %add3A_64 = arith.addi %mul3A_6, %add3A_63 : i32
      "tpu.region"() ({
        %run_scoped3A = tpu.sem_alloc : memref<!tpu.dma_semaphore, #tpu.memory_space<semaphore_mem>>
        %dma_start3A = arith.constant 0 : i32
        %dma_start3A_65 = arith.constant 0 : i32
        %dma_start3A_66 = tpu.memref_slice %arg7[%dma_start3A, %dma_start3A_65] : memref<16x1664xf32, #tpu.memory_space<vmem>> -> memref<16x128xf32, #tpu.memory_space<vmem>>
        %dma_start3A_67 = arith.constant 0 : i32
        %dma_start3A_68 = tpu.memref_slice %arg4[%dma_start3A_67, %add3A_64] : memref<16x1600000xf32, #tpu.memory_space<hbm>> -> memref<16x128xf32, #tpu.memory_space<hbm>>
        %dma_start3A_69 = arith.constant 0 : i32
        %dma_start3A_70 = tpu.memref_slice %arg4[%dma_start3A_69, %add3A_64] : memref<16x1600000xf32, #tpu.memory_space<hbm>> -> memref<16x128xf32, #tpu.memory_space<hbm>>
        %dma_start3A_71 = arith.constant 0 : i32
        %dma_start3A_72 = arith.constant 0 : i32
        %dma_start3A_73 = tpu.memref_slice %arg7[%dma_start3A_71, %dma_start3A_72] : memref<16x1664xf32, #tpu.memory_space<vmem>> -> memref<16x128xf32, #tpu.memory_space<vmem>>
        tpu.enqueue_dma source(%dma_start3A_73 : memref<16x128xf32, #tpu.memory_space<vmem>>) target(%dma_start3A_70 : memref<16x128xf32, #tpu.memory_space<hbm>>) target_semaphore(%run_scoped3A : memref<!tpu.dma_semaphore, #tpu.memory_space<semaphore_mem>>)
        %dma_wait3A_74 = arith.constant 0 : i32
        %dma_wait3A_75 = arith.constant 0 : i32
        %dma_wait3A_76 = tpu.memref_slice %arg7[%dma_wait3A_74, %dma_wait3A_75] : memref<16x1664xf32, #tpu.memory_space<vmem>> -> memref<16x128xf32, #tpu.memory_space<vmem>>
        %dma_wait3A_77 = arith.constant 0 : i32
        %dma_wait3A_78 = tpu.memref_slice %arg4[%dma_wait3A_77, %add3A_64] : memref<16x1600000xf32, #tpu.memory_space<hbm>> -> memref<16x128xf32, #tpu.memory_space<hbm>>
        %dma_wait3A_79 = arith.constant 0 : i32
        %dma_wait3A_80 = tpu.memref_slice %arg4[%dma_wait3A_79, %add3A_64] : memref<16x1600000xf32, #tpu.memory_space<hbm>> -> memref<16x128xf32, #tpu.memory_space<hbm>>
        %dma_wait3A_81 = arith.constant 0 : i32
        %dma_wait3A_82 = arith.constant 0 : i32
        %dma_wait3A_83 = tpu.memref_slice %arg7[%dma_wait3A_81, %dma_wait3A_82] : memref<16x1664xf32, #tpu.memory_space<vmem>> -> memref<16x128xf32, #tpu.memory_space<vmem>>
        tpu.wait_dma2 semaphore(%run_scoped3A : memref<!tpu.dma_semaphore, #tpu.memory_space<semaphore_mem>>) src(%dma_wait3A_83 : memref<16x128xf32, #tpu.memory_space<vmem>>) dst(%dma_wait3A_80 : memref<16x128xf32, #tpu.memory_space<hbm>>)
        tpu.yield
      }) : () -> ()
    } else {
    }
    return
  }
}

module attributes {stable_mosaic.version = 14 : i64} {
  func.func @_node_body(%arg0: i32, %arg1: memref<10000x128xf32, #tpu.memory_space<vmem>>, %arg2: memref<1x1x10000xi32, #tpu.memory_space<vmem>>, %arg3: memref<100x128xf32, #tpu.memory_space<vmem>>, %arg4: memref<128x256xf32, #tpu.memory_space<vmem>>, %arg5: memref<1x128xf32, #tpu.memory_space<vmem>>, %arg6: memref<10000x128xf32, #tpu.memory_space<vmem>>) attributes {dimension_semantics = [#tpu.dimension_semantics<arbitrary>], iteration_bounds = array<i64: 10>, scalar_prefetch = 0 : i64, scratch_operands = 0 : i64, tpu.core_type = #tpu.core_type<tc>, window_params = [{transform_indices = @transform_0, window_bounds = array<i64: 10000, 128>}, {transform_indices = @transform_1, window_bounds = array<i64: 1, 1, 10000>}, {pipeline_mode = #tpu.pipeline_mode<synchronous>, transform_indices = @transform_2, window_bounds = array<i64: 100, 128>}, {pipeline_mode = #tpu.pipeline_mode<synchronous>, transform_indices = @transform_3, window_bounds = array<i64: 128, 256>}, {pipeline_mode = #tpu.pipeline_mode<synchronous>, transform_indices = @transform_4, window_bounds = array<i64: 1, 128>}, {transform_indices = @transform_5, window_bounds = array<i64: 10000, 128>}]} {
    %get3A = arith.constant 0 : index
    %get3A_0 = arith.constant 0 : index
    %get3A_1 = arith.constant 0 : index
    %get3A_2 = vector.load %arg2[%get3A, %get3A_0, %get3A_1] : memref<1x1x10000xi32, #tpu.memory_space<vmem>>, vector<1x1x10000xi32>
    %get3A_3 = vector.shape_cast %get3A_2 : vector<1x1x10000xi32> to vector<10000xi32>
    %broadcast_in_dim3A = vector.shape_cast %get3A_3 : vector<10000xi32> to vector<10000x1xi32>
    %iota3A = tpu.iota {dimensions = array<i32: 1>} : vector<10000x100xi32>
    %eq3A = vector.broadcast %broadcast_in_dim3A : vector<10000x1xi32> to vector<10000x100xi32>
    %eq3A_4 = arith.cmpi eq, %eq3A, %iota3A : vector<10000x100xi32>
    %convert_element_type3A = arith.extui %eq3A_4 : vector<10000x100xi1> to vector<10000x100xi32>
    %convert_element_type3A_5 = arith.sitofp %convert_element_type3A : vector<10000x100xi32> to vector<10000x100xf32>
    %get3A_6 = arith.constant 0 : index
    %get3A_7 = arith.constant 0 : index
    %get3A_8 = vector.load %arg4[%get3A_6, %get3A_7] : memref<128x256xf32, #tpu.memory_space<vmem>>, vector<128x256xf32>
    %get3A_9 = arith.constant 0 : index
    %get3A_10 = arith.constant 0 : index
    %get3A_11 = vector.load %arg3[%get3A_9, %get3A_10] : memref<100x128xf32, #tpu.memory_space<vmem>>, vector<100x128xf32>
    %slice3A = vector.extract_strided_slice %get3A_8 {offsets = [0, 0], sizes = [128, 128], strides = [1, 1]} : vector<128x256xf32> to vector<128x128xf32>
    %dot_general3A = arith.constant dense<0.000000e+00> : vector<100x128xf32>
    %dot_general3A_12 = tpu.matmul %get3A_11, %slice3A, %dot_general3A {dimension_numbers = #tpu.dot_dimension_numbers<[1], [1], [0], [0], [0, 0, 1, 0], [], []>, transpose_lhs_hint = false} : vector<100x128xf32>, vector<128x128xf32>, vector<100x128xf32> -> vector<100x128xf32>
    %dot_general3A_13 = arith.constant dense<0.000000e+00> : vector<10000x128xf32>
    %dot_general3A_14 = tpu.matmul %convert_element_type3A_5, %dot_general3A_12, %dot_general3A_13 {dimension_numbers = #tpu.dot_dimension_numbers<[1], [0], [0], [1], [0, 0, 1, 1], [], []>, transpose_lhs_hint = false} : vector<10000x100xf32>, vector<100x128xf32>, vector<10000x128xf32> -> vector<10000x128xf32>
    %get3A_15 = arith.constant 0 : index
    %get3A_16 = arith.constant 0 : index
    %get3A_17 = vector.load %arg1[%get3A_15, %get3A_16] : memref<10000x128xf32, #tpu.memory_space<vmem>>, vector<10000x128xf32>
    %slice3A_18 = vector.extract_strided_slice %get3A_8 {offsets = [0, 128], sizes = [128, 128], strides = [1, 1]} : vector<128x256xf32> to vector<128x128xf32>
    %dot_general3A_19 = arith.constant dense<0.000000e+00> : vector<10000x128xf32>
    %dot_general3A_20 = tpu.matmul %get3A_17, %slice3A_18, %dot_general3A_19 {dimension_numbers = #tpu.dot_dimension_numbers<[1], [1], [0], [0], [0, 0, 1, 0], [], []>, transpose_lhs_hint = false} : vector<10000x128xf32>, vector<128x128xf32>, vector<10000x128xf32> -> vector<10000x128xf32>
    %add3A = arith.addf %dot_general3A_14, %dot_general3A_20 : vector<10000x128xf32>
    %get3A_21 = arith.constant 0 : index
    %get3A_22 = arith.constant 0 : index
    %get3A_23 = vector.load %arg5[%get3A_21, %get3A_22] : memref<1x128xf32, #tpu.memory_space<vmem>>, vector<1x128xf32>
    %add3A_24 = vector.broadcast %get3A_23 : vector<1x128xf32> to vector<10000x128xf32>
    %add3A_25 = arith.addf %add3A, %add3A_24 : vector<10000x128xf32>
    %swap3A = arith.constant 0 : index
    %swap3A_26 = arith.constant 0 : index
    %swap3A_27 = vector.load %arg6[%swap3A, %swap3A_26] : memref<10000x128xf32, #tpu.memory_space<vmem>>, vector<10000x128xf32>
    tpu.vector_store %arg6[%swap3A, %swap3A_26], %add3A_25 {strides = array<i32>} : memref<10000x128xf32, #tpu.memory_space<vmem>>, vector<10000x128xf32>,
    return
  }
  func.func @transform_0(%arg0: i32) -> (i32, i32) {
    %c0_i32 = arith.constant 0 : i32
    %c0_i32_0 = arith.constant 0 : i32
    return %arg0, %c0_i32 : i32, i32
  }
  func.func @transform_1(%arg0: i32) -> (i32, i32, i32) {
    %c0_i32 = arith.constant 0 : i32
    %c0_i32_0 = arith.constant 0 : i32
    %c0_i32_1 = arith.constant 0 : i32
    return %arg0, %c0_i32, %c0_i32_0 : i32, i32, i32
  }
  func.func @transform_2(%arg0: i32) -> (i32, i32) {
    %c0_i32 = arith.constant 0 : i32
    %c0_i32_0 = arith.constant 0 : i32
    %c0_i32_1 = arith.constant 0 : i32
    return %c0_i32, %c0_i32_0 : i32, i32
  }
  func.func @transform_3(%arg0: i32) -> (i32, i32) {
    %c0_i32 = arith.constant 0 : i32
    %c0_i32_0 = arith.constant 0 : i32
    %c0_i32_1 = arith.constant 0 : i32
    return %c0_i32, %c0_i32_0 : i32, i32
  }
  func.func @transform_4(%arg0: i32) -> (i32, i32) {
    %c0_i32 = arith.constant 0 : i32
    %c0_i32_0 = arith.constant 0 : i32
    %c0_i32_1 = arith.constant 0 : i32
    return %c0_i32, %c0_i32_0 : i32, i32
  }
  func.func @transform_5(%arg0: i32) -> (i32, i32) {
    %c0_i32 = arith.constant 0 : i32
    %c0_i32_0 = arith.constant 0 : i32
    return %arg0, %c0_i32 : i32, i32
  }
}

</mosaic_0001>

<sc_bundles>
// kernel: kernel.4.cloned.1.call-start
scs
__scs_entry_jumppad:
0x0: {  	(pc) =	sbr.rel $0x88, $3  }
0x1: {  	(tag) =	ssettag $0x0;
	lr =	simm.s32 $0x1  }
0x2: {  	[smem:$0x3F9A] =	sst lr;
	_ =	strace $0xD0000000  }
0x3: {  	_ = 	snop  }
0x4: {  	_ = 	snop  }
0x5: {  	_ = 	snop  }
0x6: {  	_ = 	snop  }
0x7: {  	_ = 	snop  }
__scs_overlays_trampoline_lowered:
0x8: {  	[smem:$0x3FA9] =	sst s0  }
0x9: {  	[smem:$0x3FAA] =	sst s1  }
0xa: {  	[smem:$0x3FAB] =	sst s2  }
0xb: {  	[smem:$0x3FAC] =	sst s3  }
0xc: {  	[smem:$0x3FAD] =	sst s4  }
0xd: {  	[smem:$0x3FAE] =	sst s5  }
0xe: {  	[smem:$0x3FAF] =	sst s6  }
0xf: {  	[smem:$0x3FB0] =	sst s7  }
0x10: {  	[smem:$0x3FB1] =	sst s8  }
0x11: {  	[smem:$0x3FB2] =	sst s9;
	s0 =	simm.s32 @!p0 $0x0  }
0x12: {  	s1 =	sld [smem:$0x3F98];
	s0 =	simm.s32 @p0 $0x1  }
0x13: {  	[smem:$0x3FB3] =	sst s0;
	s0 =	simm.s32 @!p1 $0x0  }
0x14: {  	s2 =	sld [smem:$0x3F97];
	s0 =	simm.s32 @p1 $0x1  }
0x15: {  	[smem:$0x3FB4] =	sst s0;
	s0 =	simm.s32 @!p2 $0x0  }
0x16: {  	s3 =	sld [smem:$0x3FDB];
	s0 =	simm.s32 @p2 $0x1  }
0x17: {  	s4 =	simm.s32 $0x1BF5;
	[smem:$0x3FB6] =	sst s0  }
0x18: {  	s0 =	sld [smem:$0x3F99];
	_ =	swait.ge [sflag:s4], $0x0  }
0x19: {  	s7 =	sld [smem:$0x3F9A]  }
0x1a: {  	s8 =	sadd.s32 $0xFFFFE003, lr  }
0x1b: {  	s9 =	sadd.s32 $0xFFFFFEF7, lr;
	s5 =	simm.s32 $0xFFFFFFFF;
	p2 =	slt.u32 s8, $0xFFFFF086  }
0x1c: {  	p1 =	slt.u32 s9, $0xF7A;
	s5 =	simm.s32 @!p2 $0x0  }
0x1d: {  	s5 =	simm.s32 @p1 $0x1;
	p0 =	seq.s32 s7, s2  }
0x1e: {  	s7 =	smul.u32 @!p0 $0xF7A, s2;
	p2 =	seq.s32 @!p0 s5, $0x0  }
0x1f: {  	s9 =	smul.u32 $0xF7A, s1;
	s8 =	simm.s32 @!p0 $0x1BF5;
	p2 =	por !p2, p0  }
0x20: {  	[sflag:s8] =	ssyncset.s32 @!p0 $0xFFFFF086;
	s6 =	sadd.s32 @!p0 s3, s7;
	s7 =	simm.s32 @!p0 $0x108  }
0x21: {  	s3 =	sadd.s32 s3, s9;
	s6 =	sadd.s32 @!p0 $0x88, s6;
	s7 =	simm.s32 @p2 $0x1082  }
0x22: {  	[simem:s7], [sflag:s8] =	dma.local @!p0 [hbm:s6], $0xF7A  }
0x23: {  	s9 =	sor.u32 $0xD0000000, s2;
	s6 =	simm.s32 $0x108;
	_ =	swait.ge @!p0 [sflag:s8], $0x0  }
0x24: {  	s3 =	sadd.s32 $0x88, s3;
	s6 =	simm.s32 @!p1 $0x1082;
	[sflag:s4] =	ssyncset.s32 $0xFFFFF086  }
0x25: {  	[simem:s6], [sflag:s4] =	dma.local [hbm:s3], $0xF7A  }
0x26: {  	[smem:$0x3F9A] =	sst s1;
	(tag) =	ssettag s2;
	_ =	strace s9  }
0x27: {  	s1 =	sld [smem:$0x3FAA]  }
0x28: {  	s2 =	sld [smem:$0x3FAB]  }
0x29: {  	s4 =	sld [smem:$0x3FAD]  }
0x2a: {  	p0 =	seq.s32 s5, $0x0;
	s5 =	sld [smem:$0x3FAE]  }
0x2b: {  	s6 =	sld [smem:$0x3FAF]  }
0x2c: {  	s7 =	sld [smem:$0x3FB0]  }
0x2d: {  	s3 =	simm.s32 $0x108;
	s8 =	sld [smem:$0x3FB1]  }
0x2e: {  	s3 =	simm.s32 @!p0 $0x1082;
	s9 =	sld [smem:$0x3FB2]  }
0x2f: {  	lr =	sadd.s32 s0, s3;
	s0 =	sld [smem:$0x3FA9]  }
0x30: {  	s3 =	sld [smem:$0x3FAC]  }
0x31: {  	[smem:$0x3FB5] =	sst s10  }
0x32: {  	s10 =	sld [smem:$0x3FB3];
	_ =	sdelay $0x3  }
0x33: {  	p0 =	seq.s32 s10, $0x1;
	s10 =	sld [smem:$0x3FB5];
	_ =	sdelay $0x3  }
0x34: {  	[smem:$0x3FB5] =	sst s10  }
0x35: {  	s10 =	sld [smem:$0x3FB4];
	_ =	sdelay $0x3  }
0x36: {  	p1 =	seq.s32 s10, $0x1;
	s10 =	sld [smem:$0x3FB5];
	_ =	sdelay $0x3  }
0x37: {  	[smem:$0x3FB5] =	sst s10  }
0x38: {  	s10 =	sld [smem:$0x3FB6]  }
0x39: {  	_ = 	snop;
	(pc) =	sbr.ind lr, $3  }
0x3a: {  	_ = 	snop  }
0x3b: {  	_ = 	snop  }
0x3c: {  	p2 =	seq.s32 s10, $0x1;
	s10 =	sld [smem:$0x3FB5]  }
0x3d: {  	_ =	shalt  }
0x3e: {  	_ =	shalt  }
0x3f: {  	_ =	shalt  }
0x40: {  	_ =	shalt  }
0x41: {  	_ =	shalt  }
0x42: {  	_ =	shalt  }
0x43: {  	_ =	shalt  }
0x44: {  	_ =	shalt  }
0x45: {  	_ =	shalt  }
0x46: {  	_ =	shalt  }
0x47: {  	_ =	shalt  }
0x48: {  	_ =	shalt  }
0x49: {  	_ =	shalt  }
0x4a: {  	_ =	shalt  }
0x4b: {  	_ =	shalt  }
0x4c: {  	_ =	shalt  }
0x4d: {  	_ =	shalt  }
0x4e: {  	_ =	shalt  }
0x4f: {  	_ =	shalt  }
0x50: {  	_ =	shalt  }
0x51: {  	_ =	shalt  }
0x52: {  	_ =	shalt  }
0x53: {  	_ =	shalt  }
0x54: {  	_ =	shalt  }
0x55: {  	_ =	shalt  }
0x56: {  	_ =	shalt  }
0x57: {  	_ =	shalt  }
0x58: {  	_ =	shalt  }
0x59: {  	_ =	shalt  }
0x5a: {  	_ =	shalt  }
0x5b: {  	_ =	shalt  }
0x5c: {  	_ =	shalt  }
0x5d: {  	_ =	shalt  }
0x5e: {  	_ =	shalt  }
0x5f: {  	_ =	shalt  }
0x60: {  	_ =	shalt  }
0x61: {  	_ =	shalt  }
0x62: {  	_ =	shalt  }
0x63: {  	_ =	shalt  }
0x64: {  	_ =	shalt  }
0x65: {  	_ =	shalt  }
0x66: {  	_ =	shalt  }
0x67: {  	_ =	shalt  }
0x68: {  	_ =	shalt  }
0x69: {  	_ =	shalt  }
0x6a: {  	_ =	shalt  }
0x6b: {  	_ =	shalt  }
0x6c: {  	_ =	shalt  }
0x6d: {  	_ =	shalt  }
0x6e: {  	_ =	shalt  }
0x6f: {  	_ =	shalt  }
0x70: {  	_ =	shalt  }
0x71: {  	_ =	shalt  }
0x72: {  	_ =	shalt  }
0x73: {  	_ =	shalt  }
0x74: {  	_ =	shalt  }
0x75: {  	_ =	shalt  }
0x76: {  	_ =	shalt  }
0x77: {  	_ =	shalt  }
0x78: {  	_ =	shalt  }
0x79: {  	_ =	shalt  }
0x7a: {  	_ =	shalt  }
0x7b: {  	_ =	shalt  }
0x7c: {  	_ =	shalt  }
0x7d: {  	_ =	shalt  }
0x7e: {  	_ =	shalt  }
0x7f: {  	_ =	shalt  }
0x80: {  	_ =	shalt  }
0x81: {  	_ =	shalt  }
0x82: {  	_ =	shalt  }
0x83: {  	_ =	shalt  }
0x84: {  	_ =	shalt  }
0x85: {  	_ =	shalt  }
0x86: {  	_ =	shalt  }
0x87: {  	_ =	shalt  }
.Lfunc_end0:
.L_simem_size_0:
called_computation_lowered:
.L_overlay_start_0:
0x88: {  	s2 =	sld [smem:$0x3FD9]  }
0x89: {  	s3 =	sld [smem:$0x3FFE];
	_ =	sdelay $0x1  }
0x8a: {  	s1 =	srdreg.scid  }
0x8b: {  	s0 =	sand.u32 $0x1, s1  }
0x8c: {  	s14 =	sshll.u32 s0, $0xA;
	s2 =	sadd.s32 s3, s2  }
0x8d: {  	s2 =	sadd.s32 s2, s14  }
0x8e: {  	[smem:$0x3FC1] =	sst s2  }
0x8f: {  	_ = 	snop  }
0x90: {  	s2 =	sld [smem:$0x3FD0];
	_ =	sdelay $0x2  }
0x91: {  	s4 =	simm.s32 $0xA;
	s5 =	simm.s32 $0x10;
	s15 =	sld [smem:$0x3FC7]  }
0x92: {  	[smem:s5], [sflag:s4] =	dma.local [hbm:s2], $0x1  }
0x93: {  	_ =	swait.eq [sflag:s4], $0x1  }
0x94: {  	[sflag:s4] =	ssyncset.done $0x0  }
0x95: {  	[sflag:s4] =	ssyncadd.s32 $0xFFFFFFFF  }
0x96: {  	s16 =	sld [smem:$0x11];
	(tm) =	ssettm $0x1  }
0x97: {  	s17 =	sld [smem:$0x3FFB];
	_ =	sdelay $0x3  }
0x98: {  	_ =	strace s17  }
0x99: {  	s4 =	sld [smem:$0x3FFC];
	_ =	sdelay $0x3  }
0x9a: {  	_ =	strace s4  }
0x9b: {  	s4 =	sld [smem:$0x3FFD];
	_ =	sdelay $0x3  }
0x9c: {  	_ =	strace s4  }
0x9d: {  	_ =	strace $0x8FFFFFFF  }
0x9e: {  	s18 =	sld [smem:$0x3FDB];
	_ =	sdelay $0x1  }
0x9f: {  	s19 =	simm.s32 $_scs_section_size  }
0xa0: {  	s6 =	simm.s32 $_size__tile_overlayer_lowered;
	s7 =	simm.s32 $_tile_overlayer_lowered  }
0xa1: {  	s22 =	simm.s32 $0x1BFF;
	s21 =	sshll.u32 s7, $0x1;
	s4 =	sadd.s32 s19, s18  }
0xa2: {  	s8 =	simm.s32 $0x0;
	s20 =	sshll.u32 s6, $0x1;
	s6 =	sadd.s32 s21, s4  }
0xa3: {  	[timem:s8], [sflag:s22] =	dma.local [hbm:s6], s20  }
0xa4: {  	_ =	swait.ge [sflag:s22], s20  }
0xa5: {  	s5 =	ssub.s32 $0x0, s20;
	[sflag:s22] =	ssyncset.done $0x0  }
0xa6: {  	[sflag:s22] =	ssyncadd.s32 s5;
	_ =	sdelay $0x1  }
0xa7: {  	s23 =	simm.s32 $0x1B8B  }
0xa8: {  	_ =	swait.ge [sflag:s23], $0x1  }
0xa9: {  	[sflag:s23] =	ssyncset.done $0x0  }
0xaa: {  	s25 =	simm.s32 $0x1B8E;
	s24 =	sld [smem:$0x3FFE];
	[sflag:s23] =	ssyncadd.s32 $0xFFFFFFFF  }
0xab: {  	s26 =	simm.s32 $execute0_lowered;
	[smem:$0x3FD2] =	sst s25  }
0xac: {  	s6 =	sshll.u32 s26, $0x1;
	_ =	strace $0x80000046;
	[dreg:$0x1] =	wrdreg $0xFFFFFFFF  }
0xad: {  	s28 =	simm.s32 $_size_execute0_lowered;
	s4 =	sadd.s32 s4, s6;
	[dreg:$0x0] =	wrdreg $0x0  }
0xae: {  	s6 =	sshll.u32 s28, $0x1;
	[dreg:$0x2] =	wrdreg s4  }
0xaf: {  	[dreg:$0x3] =	wrdreg s6  }
0xb0: {  	[dreg:$0x4] =	wrdreg $0xC0  }
0xb1: {  	_ =	task [dreg:s8], $0x5FFFF  }
0xb2: {  	[dreg:$0x1] =	wrdreg $0xFFFFFFFF  }
0xb3: {  	[dreg:$0x0] =	wrdreg $0x60  }
0xb4: {  	[dreg:$0x2] =	wrdreg s24  }
0xb5: {  	[dreg:$0x3] =	wrdreg s15  }
0xb6: {  	[dreg:$0x4] =	wrdreg s16  }
0xb7: {  	[dreg:$0x5] =	wrdreg $0x9  }
0xb8: {  	_ =	task.clear_ibuf [dreg:s8], $0x6FFFF;
	_ =	strace $0x90000046  }
0xb9: {  	s29 =	simm.s32 $0x9;
	_ =	strace $0x80000048  }
0xba: {  	_ =	swait.ge [sflag:s29], $0x1  }
0xbb: {  	[sflag:s29] =	ssyncadd.s32 $0xFFFFFFFF  }
0xbc: {  	_ =	strace $0x90000048  }
0xbd: {  	_ =	sfence  }
0xbe: {  	s30 =	sld [smem:$0x0];
	_ =	sdelay $0x2  }
0xbf: {  	s31 =	sshll.u32 s1, $0xD;
	s1 =	sshrl.u32 s1, $0x2  }
0xc0: {  	s3 =	sand.u32 $0x4000, s31;
	s1 =	sadd.s32 s1, s30  }
0xc1: {  	s0 =	sor.u32 s3, s0;
	s1 =	sshll.u32 s1, $0x11  }
0xc2: {  	s0 =	sor.u32 s1, s0  }
0xc3: {  	s0 =	sadd.s32 $0x8F2B, s0  }
0xc4: {  	[sflag:s0] =	ssyncadd.remote.s32 $0x1  }
0xc5: {  	_ =	sfence.sel $0xFFFF  }
0xc6: {  	[dreg:$0x0] =	wrdreg $0xFFFFFFFF;
	(pc) =	sbr.abs _section_cstart, $3  }
0xc7: {  	[dreg:$0x1] =	wrdreg $0xFFFFFFFF  }
0xc8: {  	_ =	task.clear_ibuf [dreg:s8], $0x2FFFF;
	_ =	strace $0x9FFFFFFF  }
0xc9: {  	(tm) =	ssettm $0x7FFFFFFF  }
tec
execute0_lowered:
.L_overlay_start_1:
0x0: {  	(tag) =	ssettag $0x1  }
0x1: {  	s0 =	rddreg [dreg:$0x0]  }
0x2: {  	s1 =	srdreg.scid;
	s3 =	rddreg [dreg:$0x1]  }
0x3: {  	s8 =	stileid.u32;
	s4 =	rddreg [dreg:$0x2]  }
0x4: {  	s9 =	simm.s32 $0x3;
	s11 =	simm.s32 $0x3400;
	s12 =	simm.s32 $0xC35000  }
0x5: {  	s13 =	simm.s32 $0xF600;
	s1 =	sand.u32 $0x1, s1;
	s2 =	sshll.u32 s8, $0x1  }
0x6: {  	s14 =	simm.s32 $0x15E00;
	s0 =	sadd.s32 $0xC00, s0;
	s5 =	sor.u32 s1, s2  }
0x7: {  	s2 =	simm.s32 $0x0;
	s1 =	ssub.s32 $0x2, s1;
	s6 =	smul.u32 $0x186, s5  }
0x8: {  	v0 =	vlaneseq.u32;
	[smem:$0x7FF] =	sst s2;
	s5 =	smin.u32 s5, $0x14;
	s28 =	sshrl.u32 s1, $0x1  }
0x9: {  	v0 =	vmul.u32 $0x321, v0;
	_ =	strace $0x80000047;
	[dreg:$0x4] =	wrdreg s0;
	s0 =	ssub.s32 s1, s28  }
0xa: {  	s16 =	simm.s32 $0x2;
	s5 =	sadd.s32 s5, s6;
	s0 =	smax.u32 s0, $0x1  }
.Ltmp0:
0xb: {  	v1 =	vadd.s32 $0x1, v0;
	v2 =	vadd.s32 $0x2, v0;
	v3 =	vadd.s32 $0x3, v0;
	s6 =	sshll.u32 s5, $0x7;
	s29 =	sshll.u32 s5, $0x4;
	(pc) =	sbr.rel .LBB2_1-.Ltmp0, $4  }
0xc: {  	v4 =	vadd.s32 $0x4, v0;
	v5 =	vadd.s32 $0x5, v0;
	v6 =	vadd.s32 $0x6, v0;
	[dreg:$0x8] =	wrdreg s0;
	s7 =	sadd.s32 $0xC300, s6;
	s1 =	sadd.s32 s3, s29  }
0xd: {  	v7 =	vadd.s32 $0x7, v0;
	v8 =	vadd.s32 $0x8, v0;
	v9 =	vadd.s32 $0x9, v0;
	[dreg:$0x5] =	wrdreg s1;
	s30 =	sshrl.u32 s7, $0x3;
	s31 =	sadd.s32 s4, s7  }
0xe: {  	s19 =	simm.s32 $0x0;
	v10 =	vadd.s32 $0xA, v0;
	v11 =	vadd.s32 $0xB, v0;
	v12 =	vadd.s32 $0xC, v0;
	s1 =	sadd.s32 s3, s30;
	[dreg:$0x7] =	wrdreg s31  }
0xf: {  	p0 =	sgt.u32 s8, $0x9;
	v13 =	vadd.s32 $0xD, v0;
	v14 =	vadd.s32 $0xE, v0;
	v15 =	vadd.s32 $0xF, v0;
	s5 =	sadd.s32 s4, s6;
	[dreg:$0x6] =	wrdreg s1  }
.LBB2_11:
0x10: {  	s19 =	sadd.s32 $0x1, s19;
	s0 =	rddreg [dreg:$0x8]  }
0x11: {  	p1 =	sne.s32 s19, s0  }
.Ltmp1:
0x12: {  	_ = 	snop;
	(pc) =	sbr.rel @!p1 .LBB2_12-.Ltmp1, $1  }
0x13: {  	_ =	sdelay $0x3  }
.LBB2_1:
0x14: {  	s0 =	rddreg [dreg:$0x4]  }
0x15: {  	[tilespmem:s2], [sflag:$0x3] =	stream.linear.gather [hbm4b:s0+s2], $0x3280, $0x38;
	[tilespmem:$0x1C600] =	vst v63  }
0x16: {  	_ =	swait.ge [sflag:s9], $0x3280  }
0x17: {  	[sflag:s9] =	ssyncset.done $0x0  }
0x18: {  	s1 =	simm.s32 $0x3280;
	s31 =	rddreg [dreg:$0x5];
	[sflag:s9] =	ssyncadd.s32 $0xFFFFCD80  }
0x19: {  	[tilespmem:s1], [sflag:$0x3] =	stream.linear.gather [hbm4b:s31+s2], $0xC300, $0x38;
	[tilespmem:$0x1C600] =	vst v63  }
0x1a: {  	_ =	swait.ge [sflag:s9], $0xC300  }
0x1b: {  	s20 =	simm.s32 $0x680;
	[sflag:s9] =	ssyncset.done $0x0  }
0x1c: {  	s21 =	simm.s32 $0x0;
	s22 =	simm.s32 $0x0;
	[sflag:s9] =	ssyncadd.s32 $0xFFFF3D00  }
.LBB2_2:
0x1d: {  	p1 =	seq.s32 s22, $0x0  }
0x1e: {  	s1 =	simm.s32 @!p1 $0x1  }
0x1f: {  	s0 =	simm.s32 $0x0;
	s3 =	sadd.s32 $0x0, s21;
	_ =	swait.ge @!p1 [sflag:s1], $0x6800  }
0x20: {  	s3 =	sand.u32 $0x1FF80, s3;
	s4 =	sand.u32 $0x70, s0;
	[sflag:s1] =	ssyncset.done @!p1 $0x0  }
0x21: {  	s24 =	sor.u32 s4, s3;
	[sflag:s1] =	ssyncadd.s32 @!p1 $0xFFFF9800  }
0x22: {  	v16 =	vld [tilespmem:s24+$0x3280];
	_ =	sdelay $0x4  }
0x23: {  	v22 =	vshll.u32 v16, $0x4  }
0x24: {  	v16 =	vadd.s32 v0, v22;
	_ =	sdelay $0x4  }
0x25: {  	v16 =	vld.idx.msk [tilespmem:v16+s2+$0x0], $0xffff  }
0x26: {  	s25 =	simm.s32 $0x10;
	s26 =	sadd.s32 $0x10, s21;
	v17 =	vadd.s32 v1, v22  }
0x27: {  	s3 =	sand.u32 $0x1FF80, s26;
	s1 =	sand.u32 $0x70, s25  }
0x28: {  	s6 =	sand.u32 $0x3C00, s0;
	s3 =	sor.u32 s1, s3  }
0x29: {  	s29 =	sor.u32 s4, s6;
	v18 =	vld [tilespmem:s3+$0x3280]  }
0x2a: {  	[tilespmem:s29+$0xF600] =	vst v16  }
0x2b: {  	v16 =	vld.idx.msk [tilespmem:v17+s2+$0x0], $0xffff  }
0x2c: {  	v17 =	vadd.s32 v2, v22;
	_ =	sdelay $0x1  }
0x2d: {  	v18 =	vshll.u32 v18, $0x4  }
0x2e: {  	v19 =	vadd.s32 v0, v18  }
0x2f: {  	[tilespmem:s29+$0xF680] =	vst v16  }
0x30: {  	v16 =	vld.idx.msk [tilespmem:v17+s2+$0x0], $0xffff  }
0x31: {  	v17 =	vadd.s32 v3, v22  }
0x32: {  	s7 =	sadd.s32 $0x20, s21;
	s6 =	simm.s32 $0x20  }
0x33: {  	s4 =	sand.u32 $0x1FF80, s7;
	s3 =	sand.u32 $0x70, s6;
	v19 =	vld.idx.msk [tilespmem:v19+s2+$0x0], $0xffff  }
0x34: {  	s4 =	sor.u32 s3, s4;
	v20 =	vadd.s32 v1, v18  }
0x35: {  	s8 =	simm.s32 $0x80;
	v21 =	vld [tilespmem:s4+$0x3280];
	[tilespmem:s29+$0xF700] =	vst v16  }
0x36: {  	s4 =	sand.u32 $0x3C00, s8;
	v16 =	vld.idx.msk [tilespmem:v17+s2+$0x0], $0xffff  }
0x37: {  	s25 =	sor.u32 s1, s4;
	v17 =	vadd.s32 v4, v22  }
0x38: {  	[tilespmem:s25+$0xF600] =	vst v19  }
0x39: {  	v19 =	vld.idx.msk [tilespmem:v20+s2+$0x0], $0xffff  }
0x3a: {  	v20 =	vadd.s32 v2, v18  }
0x3b: {  	[tilespmem:s29+$0xF780] =	vst v16;
	v16 =	vshll.u32 v21, $0x4  }
0x3c: {  	v17 =	vld.idx.msk [tilespmem:v17+s2+$0x0], $0xffff;
	v21 =	vadd.s32 v0, v16  }
0x3d: {  	v23 =	vadd.s32 v5, v22  }
0x3e: {  	[tilespmem:s25+$0xF680] =	vst v19  }
0x3f: {  	v19 =	vld.idx.msk [tilespmem:v20+s2+$0x0], $0xffff  }
0x40: {  	v20 =	vadd.s32 v3, v18  }
0x41: {  	s10 =	simm.s32 $0x30;
	s15 =	sadd.s32 $0x30, s21;
	v21 =	vld.idx.msk [tilespmem:v21+s2+$0x0], $0xffff;
	[tilespmem:s29+$0xF800] =	vst v17  }
0x42: {  	s4 =	sand.u32 $0x1FF80, s15;
	s1 =	sand.u32 $0x70, s10;
	v17 =	vld.idx.msk [tilespmem:v23+s2+$0x0], $0xffff;
	v23 =	vadd.s32 v1, v16  }
0x43: {  	s17 =	simm.s32 $0x100;
	s4 =	sor.u32 s1, s4;
	v24 =	vadd.s32 v6, v22  }
0x44: {  	s18 =	sand.u32 $0x3C00, s17;
	v25 =	vld [tilespmem:s4+$0x3280];
	[tilespmem:s25+$0xF700] =	vst v19  }
0x45: {  	s24 =	sor.u32 s3, s18;
	v19 =	vld.idx.msk [tilespmem:v20+s2+$0x0], $0xffff  }
0x46: {  	v20 =	vadd.s32 v4, v18;
	[tilespmem:s24+$0xF600] =	vst v21  }
0x47: {  	v21 =	vld.idx.msk [tilespmem:v23+s2+$0x0], $0xffff;
	[tilespmem:s29+$0xF880] =	vst v17  }
0x48: {  	v23 =	vld.idx.msk [tilespmem:v24+s2+$0x0], $0xffff;
	v24 =	vadd.s32 v2, v16  }
0x49: {  	v26 =	vadd.s32 v7, v22  }
0x4a: {  	[tilespmem:s25+$0xF780] =	vst v19;
	v17 =	vshll.u32 v25, $0x4  }
0x4b: {  	v19 =	vld.idx.msk [tilespmem:v20+s2+$0x0], $0xffff;
	v20 =	vadd.s32 v0, v17  }
0x4c: {  	[tilespmem:s24+$0xF680] =	vst v21;
	v21 =	vadd.s32 v5, v18  }
0x4d: {  	v24 =	vld.idx.msk [tilespmem:v24+s2+$0x0], $0xffff;
	[tilespmem:s29+$0xF900] =	vst v23  }
0x4e: {  	v25 =	vadd.s32 v3, v16;
	v23 =	vld.idx.msk [tilespmem:v26+s2+$0x0], $0xffff  }
0x4f: {  	s23 =	simm.s32 $0x40;
	s0 =	sand.u32 $0x7, s0;
	s26 =	sadd.s32 $0x40, s21;
	v26 =	vadd.s32 v8, v22  }
0x50: {  	s7 =	sand.u32 $0x70, s23;
	s8 =	sshll.u32 s0, $0x4;
	s4 =	sand.u32 $0x1FF80, s26;
	[tilespmem:s25+$0xF800] =	vst v19;
	v20 =	vld.idx.msk [tilespmem:v20+s2+$0x0], $0xffff  }
0x51: {  	s3 =	sadd.s32 $0x0, s8;
	s4 =	sor.u32 s7, s4;
	v19 =	vld.idx.msk [tilespmem:v21+s2+$0x0], $0xffff;
	v21 =	vadd.s32 v1, v17  }
0x52: {  	s10 =	simm.s32 $0x180;
	s3 =	sor.u32 $0x380, s3;
	v27 =	vld [tilespmem:s4+$0x3280];
	[tilespmem:s24+$0xF700] =	vst v24;
	v24 =	vadd.s32 v6, v18  }
0x53: {  	s4 =	sand.u32 $0x3C00, s10;
	v25 =	vld.idx.msk [tilespmem:v25+s2+$0x0], $0xffff;
	[tilespmem:s3+$0xF600] =	vst v23  }
0x54: {  	s26 =	sor.u32 s1, s4;
	v23 =	vld.idx.msk [tilespmem:v26+s2+$0x0], $0xffff;
	v26 =	vadd.s32 v4, v16  }
0x55: {  	[tilespmem:s26+$0xF600] =	vst v20;
	v20 =	vadd.s32 v9, v22  }
0x56: {  	v21 =	vld.idx.msk [tilespmem:v21+s2+$0x0], $0xffff;
	[tilespmem:s25+$0xF880] =	vst v19  }
0x57: {  	v28 =	vadd.s32 v2, v17;
	v24 =	vld.idx.msk [tilespmem:v24+s2+$0x0], $0xffff  }
0x58: {  	v19 =	vshll.u32 v27, $0x4;
	[tilespmem:s24+$0xF780] =	vst v25;
	v25 =	vadd.s32 v7, v18  }
0x59: {  	v26 =	vld.idx.msk [tilespmem:v26+s2+$0x0], $0xffff;
	[tilespmem:s29+$0x12A00] =	vst v23;
	v23 =	vadd.s32 v0, v19  }
0x5a: {  	v27 =	vadd.s32 v5, v16;
	v20 =	vld.idx.msk [tilespmem:v20+s2+$0x0], $0xffff  }
0x5b: {  	[tilespmem:s26+$0xF680] =	vst v21;
	v21 =	vadd.s32 v10, v22  }
0x5c: {  	v28 =	vld.idx.msk [tilespmem:v28+s2+$0x0], $0xffff;
	[tilespmem:s25+$0xF900] =	vst v24  }
0x5d: {  	s15 =	simm.s32 $0x1;
	v24 =	vld.idx.msk [tilespmem:v25+s2+$0x0], $0xffff;
	v25 =	vadd.s32 v3, v17  }
0x5e: {  	s17 =	simm.s32 $0x50;
	s18 =	sadd.s32 $0x50, s21;
	s1 =	sand.u32 $0x7, s15;
	v23 =	vld.idx.msk [tilespmem:v23+s2+$0x0], $0xffff;
	[tilespmem:s24+$0xF800] =	vst v26;
	v26 =	vadd.s32 v8, v18  }
0x5f: {  	s4 =	sand.u32 $0x1FF80, s18;
	s1 =	sshll.u32 s1, $0x4;
	s3 =	sand.u32 $0x70, s17;
	v27 =	vld.idx.msk [tilespmem:v27+s2+$0x0], $0xffff;
	[tilespmem:s29+$0x12A80] =	vst v20;
	v20 =	vadd.s32 v1, v19  }
0x60: {  	s31 =	simm.s32 $0x200;
	s1 =	sadd.s32 $0x80, s1;
	v29 =	vadd.s32 v6, v16;
	s4 =	sor.u32 s3, s4;
	v21 =	vld.idx.msk [tilespmem:v21+s2+$0x0], $0xffff  }
0x61: {  	s23 =	sand.u32 $0x3C00, s31;
	s1 =	sor.u32 $0x380, s1;
	v30 =	vld [tilespmem:s4+$0x3280];
	[tilespmem:s26+$0xF700] =	vst v28;
	v28 =	vadd.s32 v11, v22  }
0x62: {  	s28 =	sor.u32 s7, s23;
	v25 =	vld.idx.msk [tilespmem:v25+s2+$0x0], $0xffff;
	[tilespmem:s1+$0xF600] =	vst v24  }
0x63: {  	v24 =	vld.idx.msk [tilespmem:v26+s2+$0x0], $0xffff;
	[tilespmem:s28+$0xF600] =	vst v23;
	v23 =	vadd.s32 v4, v17  }
0x64: {  	s6 =	sadd.s32 $0x60, s21;
	s4 =	simm.s32 $0x60;
	v26 =	vld.idx.msk [tilespmem:v20+s2+$0x0], $0xffff;
	[tilespmem:s24+$0xF880] =	vst v27;
	v27 =	vadd.s32 v9, v18  }
0x65: {  	s7 =	sand.u32 $0x1FF80, s6;
	s1 =	sand.u32 $0x70, s4;
	v29 =	vld.idx.msk [tilespmem:v29+s2+$0x0], $0xffff;
	[tilespmem:s29+$0x12B00] =	vst v21;
	v21 =	vadd.s32 v2, v19  }
0x66: {  	v31 =	vadd.s32 v7, v16;
	s0 =	sor.u32 s1, s7;
	v28 =	vld.idx.msk [tilespmem:v28+s2+$0x0], $0xffff  }
0x67: {  	v32 =	vld [tilespmem:s0+$0x3280];
	v20 =	vshll.u32 v30, $0x4;
	[tilespmem:s26+$0xF780] =	vst v25;
	v25 =	vadd.s32 v12, v22  }
0x68: {  	v23 =	vld.idx.msk [tilespmem:v23+s2+$0x0], $0xffff;
	[tilespmem:s25+$0x12A00] =	vst v24;
	v24 =	vadd.s32 v0, v20  }
0x69: {  	v27 =	vld.idx.msk [tilespmem:v27+s2+$0x0], $0xffff;
	[tilespmem:s28+$0xF680] =	vst v26;
	v26 =	vadd.s32 v5, v17  }
0x6a: {  	v21 =	vld.idx.msk [tilespmem:v21+s2+$0x0], $0xffff;
	[tilespmem:s24+$0xF900] =	vst v29;
	v29 =	vadd.s32 v10, v18  }
0x6b: {  	s8 =	simm.s32 $0x2;
	v30 =	vld.idx.msk [tilespmem:v31+s2+$0x0], $0xffff;
	[tilespmem:s29+$0x12B80] =	vst v28;
	v28 =	vadd.s32 v3, v19  }
0x6c: {  	s0 =	sand.u32 $0x7, s8;
	v31 =	vadd.s32 v8, v16;
	v25 =	vld.idx.msk [tilespmem:v25+s2+$0x0], $0xffff  }
0x6d: {  	s0 =	sshll.u32 s0, $0x4;
	v24 =	vld.idx.msk [tilespmem:v24+s2+$0x0], $0xffff;
	[tilespmem:s26+$0xF800] =	vst v23;
	v23 =	vadd.s32 v13, v22  }
0x6e: {  	s10 =	sadd.s32 $0x100, s0;
	v26 =	vld.idx.msk [tilespmem:v26+s2+$0x0], $0xffff;
	[tilespmem:s25+$0x12A80] =	vst v27;
	v27 =	vadd.s32 v1, v20  }
0x6f: {  	s0 =	simm.s32 $0x280;
	s4 =	sor.u32 $0x380, s10;
	v29 =	vld.idx.msk [tilespmem:v29+s2+$0x0], $0xffff;
	[tilespmem:s28+$0xF700] =	vst v21;
	v21 =	vadd.s32 v6, v17  }
0x70: {  	s15 =	sand.u32 $0x3C00, s0;
	v33 =	vld.idx.msk [tilespmem:v28+s2+$0x0], $0xffff;
	[tilespmem:s4+$0xF600] =	vst v30;
	v28 =	vadd.s32 v11, v18  }
0x71: {  	s30 =	sor.u32 s3, s15;
	v30 =	vld.idx.msk [tilespmem:v31+s2+$0x0], $0xffff;
	[tilespmem:s29+$0x12C00] =	vst v25  }
0x72: {  	[tilespmem:s30+$0xF600] =	vst v24;
	v24 =	vadd.s32 v4, v19;
	v23 =	vld.idx.msk [tilespmem:v23+s2+$0x0], $0xffff  }
0x73: {  	s18 =	sadd.s32 $0x70, s21;
	s17 =	simm.s32 $0x70;
	v25 =	vld.idx.msk [tilespmem:v27+s2+$0x0], $0xffff;
	[tilespmem:s26+$0xF880] =	vst v26;
	v26 =	vadd.s32 v9, v16  }
0x74: {  	s10 =	sand.u32 $0x70, s17;
	s4 =	sand.u32 $0x1FF80, s18;
	v27 =	vld.idx.msk [tilespmem:v21+s2+$0x0], $0xffff;
	[tilespmem:s25+$0x12B00] =	vst v29;
	v29 =	vadd.s32 v14, v22  }
0x75: {  	s3 =	sor.u32 s10, s4;
	v31 =	vadd.s32 v2, v20;
	v34 =	vld.idx.msk [tilespmem:v28+s2+$0x0], $0xffff  }
0x76: {  	v63 =	vadd.s32 v7, v17;
	v21 =	vshll.u32 v32, $0x4;
	v28 =	vld [tilespmem:s3+$0x3280];
	[tilespmem:s28+$0xF780] =	vst v33  }
0x77: {  	v32 =	vadd.s32 v0, v21;
	[tilespmem:s24+$0x12A00] =	vst v30;
	v24 =	vld.idx.msk [tilespmem:v24+s2+$0x0], $0xffff  }
0x78: {  	v30 =	vadd.s32 v12, v18;
	[tilespmem:s29+$0x12C80] =	vst v23;
	v26 =	vld.idx.msk [tilespmem:v26+s2+$0x0], $0xffff  }
0x79: {  	v23 =	vadd.s32 v5, v19;
	[tilespmem:s30+$0xF680] =	vst v25;
	v29 =	vld.idx.msk [tilespmem:v29+s2+$0x0], $0xffff  }
0x7a: {  	v35 =	vadd.s32 v10, v16;
	v31 =	vld.idx.msk [tilespmem:v31+s2+$0x0], $0xffff;
	[tilespmem:s26+$0xF900] =	vst v27  }
0x7b: {  	v22 =	vadd.s32 v15, v22;
	v25 =	vld.idx.msk [tilespmem:v63+s2+$0x0], $0xffff  }
0x7c: {  	s3 =	simm.s32 $0x3;
	[tilespmem:s25+$0x12B80] =	vst v34;
	v33 =	vld.idx.msk [tilespmem:v32+s2+$0x0], $0xffff;
	v32 =	vadd.s32 v3, v20  }
0x7d: {  	s23 =	sand.u32 $0x7, s3;
	v27 =	vld.idx.msk [tilespmem:v30+s2+$0x0], $0xffff;
	[tilespmem:s28+$0xF800] =	vst v24;
	v24 =	vadd.s32 v8, v17  }
0x7e: {  	s4 =	sshll.u32 s23, $0x4;
	v30 =	vld.idx.msk [tilespmem:v23+s2+$0x0], $0xffff;
	[tilespmem:s24+$0x12A80] =	vst v26;
	v23 =	vadd.s32 v13, v18  }
0x7f: {  	s6 =	simm.s32 $0x300;
	s7 =	sadd.s32 $0x180, s4;
	v34 =	vadd.s32 v1, v21;
	v26 =	vld.idx.msk [tilespmem:v35+s2+$0x0], $0xffff;
	[tilespmem:s29+$0x12D00] =	vst v29  }
0x80: {  	s23 =	smul.u32 $0xD00, s22;
	s4 =	simm.s32 $0x80;
	s7 =	sor.u32 $0x380, s7;
	[tilespmem:s30+$0xF700] =	vst v31;
	v31 =	vadd.s32 v6, v19;
	v29 =	vld.idx.msk [tilespmem:v22+s2+$0x0], $0xffff  }
.LBB2_3:
0x81: {  	p2 =	sne.s32 s4, $0x670;
	s17 =	sand.u32 $0x3C00, s6;
	v22 =	vld.idx.msk [tilespmem:v32+s2+$0x0], $0xffff;
	[tilespmem:s7+$0xF600] =	vst v25;
	v25 =	vadd.s32 v11, v16  }
0x82: {  	s7 =	sor.u32 s1, s17;
	v24 =	vld.idx.msk [tilespmem:v24+s2+$0x0], $0xffff;
	[tilespmem:s25+$0x12C00] =	vst v27;
	s1 =	smov.u32 s10  }
0x83: {  	v27 =	vadd.s32 v4, v20;
	[tilespmem:s7+$0xF600] =	vst v33;
	v23 =	vld.idx.msk [tilespmem:v23+s2+$0x0], $0xffff  }
0x84: {  	s10 =	sadd.s32 s4, s21;
	v32 =	vld.idx.msk [tilespmem:v34+s2+$0x0], $0xffff;
	[tilespmem:s28+$0xF880] =	vst v30;
	v30 =	vadd.s32 v9, v17  }
0x85: {  	s17 =	sand.u32 $0x1FF80, s10;
	s10 =	sand.u32 $0x70, s4;
	v31 =	vld.idx.msk [tilespmem:v31+s2+$0x0], $0xffff;
	[tilespmem:s24+$0x12B00] =	vst v26;
	v26 =	vadd.s32 v14, v18  }
0x86: {  	v33 =	vadd.s32 v2, v21;
	s17 =	sor.u32 s10, s17;
	v34 =	vld.idx.msk [tilespmem:v25+s2+$0x0], $0xffff;
	[tilespmem:s29+$0x12D80] =	vst v29;
	s29 =	smov.u32 s25;
	s25 =	smov.u32 s24  }
0x87: {  	s24 =	smov.u32 s26;
	s26 =	smov.u32 s28;
	s28 =	smov.u32 s30;
	v29 =	vld [tilespmem:s17+$0x3280];
	[tilespmem:s30+$0xF780] =	vst v22;
	v22 =	vadd.s32 v7, v19  }
0x88: {  	v35 =	vshll.u32 v28, $0x4;
	s30 =	smov.u32 s7;
	v36 =	vld.idx.msk [tilespmem:v27+s2+$0x0], $0xffff;
	[tilespmem:s24+$0x12A00] =	vst v24;
	v24 =	vadd.s32 v12, v16  }
0x89: {  	v37 =	vadd.s32 v0, v35;
	v38 =	vld.idx.msk [tilespmem:v30+s2+$0x0], $0xffff;
	[tilespmem:s29+$0x12C80] =	vst v23  }
0x8a: {  	v23 =	vadd.s32 v5, v20;
	[tilespmem:s30+$0xF680] =	vst v32;
	v39 =	vld.idx.msk [tilespmem:v26+s2+$0x0], $0xffff  }
0x8b: {  	v26 =	vadd.s32 v10, v17;
	v40 =	vld.idx.msk [tilespmem:v33+s2+$0x0], $0xffff;
	[tilespmem:s26+$0xF900] =	vst v31  }
0x8c: {  	v25 =	vld.idx.msk [tilespmem:v22+s2+$0x0], $0xffff;
	[tilespmem:s25+$0x12B80] =	vst v34;
	v22 =	vadd.s32 v15, v18;
	v28 =	vmovc v29;
	v18 =	vmov v16;
	v16 =	vmov v17  }
.Ltmp2:
0x8d: {  	s3 =	sadd.s32 $0x1, s3;
	v32 =	vadd.s32 v3, v21;
	v17 =	vmovc v19;
	v19 =	vmovc v20;
	v20 =	vmov v21;
	v21 =	vmov v35;
	v27 =	vld.idx.msk [tilespmem:v24+s2+$0x0], $0xffff;
	(pc) =	sbr.rel @p2 .LBB2_3-.Ltmp2, $4  }
0x8e: {  	s7 =	sand.u32 $0x7, s3;
	v24 =	vadd.s32 v8, v17;
	v33 =	vld.idx.msk [tilespmem:v37+s2+$0x0], $0xffff;
	[tilespmem:s28+$0xF800] =	vst v36  }
0x8f: {  	s7 =	sshll.u32 s7, $0x4;
	v30 =	vld.idx.msk [tilespmem:v23+s2+$0x0], $0xffff;
	[tilespmem:s24+$0x12A80] =	vst v38;
	v23 =	vadd.s32 v13, v18  }
0x90: {  	s7 =	sadd.s32 s7, s31;
	s31 =	smov.u32 s0;
	s0 =	smov.u32 s6;
	v34 =	vadd.s32 v1, v21;
	v26 =	vld.idx.msk [tilespmem:v26+s2+$0x0], $0xffff;
	[tilespmem:s29+$0x12D00] =	vst v39  }
0x91: {  	s4 =	sadd.s32 $0x10, s4;
	s6 =	sadd.s32 $0x80, s6;
	s7 =	sor.u32 $0x380, s7;
	v31 =	vadd.s32 v6, v19;
	[tilespmem:s30+$0xF700] =	vst v40;
	v29 =	vld.idx.msk [tilespmem:v22+s2+$0x0], $0xffff  }
0x92: {  	v22 =	vshll.u32 v28, $0x4  }
0x93: {  	v28 =	vadd.s32 v0, v22;
	_ =	sdelay $0x4  }
0x94: {  	v28 =	vld.idx.msk [tilespmem:v28+s2+$0x0], $0xffff  }
0x95: {  	v35 =	vadd.s32 v1, v22  }
0x96: {  	s17 =	sand.u32 $0x3C00, s6;
	s4 =	sadd.s32 $0x80, s6  }
0x97: {  	s1 =	sor.u32 s1, s17;
	s8 =	sand.u32 $0x3C00, s4  }
0x98: {  	[tilespmem:s1+$0xF600] =	vst v33;
	s17 =	sor.u32 s10, s8  }
0x99: {  	v33 =	vld.idx.msk [tilespmem:v34+s2+$0x0], $0xffff;
	[tilespmem:s17+$0xF600] =	vst v28  }
0x9a: {  	v28 =	vadd.s32 v2, v21;
	v39 =	vld.idx.msk [tilespmem:v35+s2+$0x0], $0xffff  }
0x9b: {  	v40 =	vadd.s32 v2, v22;
	_ =	sdelay $0x2  }
0x9c: {  	[tilespmem:s1+$0xF680] =	vst v33  }
0x9d: {  	v28 =	vld.idx.msk [tilespmem:v28+s2+$0x0], $0xffff;
	[tilespmem:s17+$0xF680] =	vst v39  }
0x9e: {  	v41 =	vadd.s32 v3, v21;
	v34 =	vld.idx.msk [tilespmem:v40+s2+$0x0], $0xffff  }
0x9f: {  	v42 =	vadd.s32 v3, v22;
	_ =	sdelay $0x2  }
0xa0: {  	v32 =	vld.idx.msk [tilespmem:v32+s2+$0x0], $0xffff;
	[tilespmem:s1+$0xF700] =	vst v28  }
0xa1: {  	v28 =	vadd.s32 v4, v20;
	v33 =	vld.idx.msk [tilespmem:v41+s2+$0x0], $0xffff;
	[tilespmem:s17+$0xF700] =	vst v34  }
0xa2: {  	v43 =	vadd.s32 v4, v21;
	v35 =	vld.idx.msk [tilespmem:v42+s2+$0x0], $0xffff  }
0xa3: {  	v36 =	vadd.s32 v4, v22;
	_ =	sdelay $0x1  }
0xa4: {  	[tilespmem:s30+$0xF780] =	vst v32  }
0xa5: {  	v28 =	vld.idx.msk [tilespmem:v28+s2+$0x0], $0xffff;
	[tilespmem:s1+$0xF780] =	vst v33  }
0xa6: {  	v44 =	vadd.s32 v5, v20;
	v33 =	vld.idx.msk [tilespmem:v43+s2+$0x0], $0xffff;
	[tilespmem:s17+$0xF780] =	vst v35  }
0xa7: {  	v45 =	vadd.s32 v5, v21;
	v35 =	vld.idx.msk [tilespmem:v36+s2+$0x0], $0xffff  }
0xa8: {  	v46 =	vadd.s32 v5, v22;
	_ =	sdelay $0x1  }
0xa9: {  	[tilespmem:s30+$0xF800] =	vst v28  }
0xaa: {  	v28 =	vld.idx.msk [tilespmem:v44+s2+$0x0], $0xffff;
	[tilespmem:s1+$0xF800] =	vst v33  }
0xab: {  	v47 =	vadd.s32 v6, v20;
	v33 =	vld.idx.msk [tilespmem:v45+s2+$0x0], $0xffff;
	[tilespmem:s17+$0xF800] =	vst v35  }
0xac: {  	v48 =	vadd.s32 v6, v21;
	v35 =	vld.idx.msk [tilespmem:v46+s2+$0x0], $0xffff  }
0xad: {  	v49 =	vadd.s32 v6, v22  }
0xae: {  	[tilespmem:s28+$0xF880] =	vst v30  }
0xaf: {  	[tilespmem:s30+$0xF880] =	vst v28;
	v28 =	vld.idx.msk [tilespmem:v31+s2+$0x0], $0xffff  }
0xb0: {  	v30 =	vadd.s32 v7, v19;
	v31 =	vld.idx.msk [tilespmem:v47+s2+$0x0], $0xffff;
	[tilespmem:s1+$0xF880] =	vst v33  }
0xb1: {  	v50 =	vadd.s32 v7, v20;
	v33 =	vld.idx.msk [tilespmem:v48+s2+$0x0], $0xffff;
	[tilespmem:s17+$0xF880] =	vst v35  }
0xb2: {  	[tilespmem:s7+$0xF600] =	vst v25;
	v25 =	vadd.s32 v7, v21;
	v51 =	vld.idx.msk [tilespmem:v49+s2+$0x0], $0xffff  }
0xb3: {  	[tilespmem:s25+$0x12C00] =	vst v27;
	v27 =	vadd.s32 v7, v22  }
0xb4: {  	s3 =	sadd.s32 $0x1, s3;
	[tilespmem:s28+$0xF900] =	vst v28  }
0xb5: {  	s10 =	sand.u32 $0x7, s3;
	s3 =	sadd.s32 $0x1, s3;
	v28 =	vld.idx.msk [tilespmem:v30+s2+$0x0], $0xffff;
	[tilespmem:s30+$0xF900] =	vst v31  }
0xb6: {  	s7 =	sshll.u32 s10, $0x4;
	s15 =	sand.u32 $0x7, s3;
	v30 =	vadd.s32 v8, v19;
	v31 =	vld.idx.msk [tilespmem:v50+s2+$0x0], $0xffff;
	[tilespmem:s1+$0xF900] =	vst v33  }
0xb7: {  	v52 =	vadd.s32 v8, v20;
	s3 =	sadd.s32 $0x1, s3;
	s7 =	sadd.s32 s7, s31;
	s10 =	sshll.u32 s15, $0x4;
	v25 =	vld.idx.msk [tilespmem:v25+s2+$0x0], $0xffff;
	[tilespmem:s17+$0xF900] =	vst v51  }
0xb8: {  	[tilespmem:s24+$0x12B00] =	vst v26;
	v26 =	vadd.s32 v8, v21;
	s18 =	sand.u32 $0x7, s3;
	s3 =	sadd.s32 $0x1, s3;
	s7 =	sor.u32 $0x380, s7;
	v27 =	vld.idx.msk [tilespmem:v27+s2+$0x0], $0xffff  }
0xb9: {  	v24 =	vld.idx.msk [tilespmem:v24+s2+$0x0], $0xffff;
	[tilespmem:s29+$0x12D80] =	vst v29;
	v29 =	vadd.s32 v8, v22;
	s0 =	sadd.s32 s10, s0;
	s18 =	sshll.u32 s18, $0x4;
	s3 =	sand.u32 $0x7, s3  }
0xba: {  	v23 =	vld.idx.msk [tilespmem:v23+s2+$0x0], $0xffff;
	s0 =	sor.u32 $0x380, s0;
	s8 =	sadd.s32 s18, s6;
	s3 =	sshll.u32 s3, $0x4;
	[tilespmem:s7+$0xF600] =	vst v28;
	v28 =	vadd.s32 v9, v17  }
0xbb: {  	v53 =	vadd.s32 v11, v16;
	s10 =	sor.u32 $0x380, s8;
	s3 =	sadd.s32 s3, s4;
	v30 =	vld.idx.msk [tilespmem:v30+s2+$0x0], $0xffff;
	[tilespmem:s0+$0xF600] =	vst v31  }
0xbc: {  	s15 =	sor.u32 $0x380, s3;
	v31 =	vadd.s32 v9, v19;
	v32 =	vld.idx.msk [tilespmem:v52+s2+$0x0], $0xffff;
	[tilespmem:s10+$0xF600] =	vst v25  }
0xbd: {  	v25 =	vadd.s32 v9, v20;
	v26 =	vld.idx.msk [tilespmem:v26+s2+$0x0], $0xffff;
	[tilespmem:s15+$0xF600] =	vst v27  }
0xbe: {  	[tilespmem:s26+$0x12A00] =	vst v24;
	v24 =	vadd.s32 v9, v21;
	v27 =	vld.idx.msk [tilespmem:v29+s2+$0x0], $0xffff  }
0xbf: {  	[tilespmem:s25+$0x12C80] =	vst v23;
	v23 =	vadd.s32 v9, v22;
	v28 =	vld.idx.msk [tilespmem:v28+s2+$0x0], $0xffff  }
0xc0: {  	v54 =	vadd.s32 v14, v18;
	v29 =	vld.idx.msk [tilespmem:v53+s2+$0x0], $0xffff;
	[tilespmem:s28+$0x12A00] =	vst v30  }
0xc1: {  	v30 =	vadd.s32 v10, v17;
	v31 =	vld.idx.msk [tilespmem:v31+s2+$0x0], $0xffff;
	[tilespmem:s30+$0x12A00] =	vst v32  }
0xc2: {  	v55 =	vadd.s32 v10, v19;
	v25 =	vld.idx.msk [tilespmem:v25+s2+$0x0], $0xffff;
	[tilespmem:s1+$0x12A00] =	vst v26  }
0xc3: {  	v26 =	vadd.s32 v10, v20;
	v24 =	vld.idx.msk [tilespmem:v24+s2+$0x0], $0xffff;
	[tilespmem:s17+$0x12A00] =	vst v27  }
0xc4: {  	[tilespmem:s26+$0x12A80] =	vst v28;
	v27 =	vadd.s32 v10, v21;
	v23 =	vld.idx.msk [tilespmem:v23+s2+$0x0], $0xffff  }
0xc5: {  	v28 =	vadd.s32 v10, v22;
	[tilespmem:s24+$0x12B80] =	vst v29;
	v29 =	vld.idx.msk [tilespmem:v54+s2+$0x0], $0xffff  }
0xc6: {  	v56 =	vadd.s32 v12, v16;
	v30 =	vld.idx.msk [tilespmem:v30+s2+$0x0], $0xffff;
	[tilespmem:s28+$0x12A80] =	vst v31  }
0xc7: {  	v31 =	vadd.s32 v11, v17;
	v32 =	vld.idx.msk [tilespmem:v55+s2+$0x0], $0xffff;
	[tilespmem:s30+$0x12A80] =	vst v25  }
0xc8: {  	v25 =	vadd.s32 v11, v19;
	v26 =	vld.idx.msk [tilespmem:v26+s2+$0x0], $0xffff;
	[tilespmem:s1+$0x12A80] =	vst v24  }
0xc9: {  	v24 =	vadd.s32 v11, v20;
	v27 =	vld.idx.msk [tilespmem:v27+s2+$0x0], $0xffff;
	[tilespmem:s17+$0x12A80] =	vst v23  }
0xca: {  	[tilespmem:s25+$0x12D00] =	vst v29;
	v23 =	vadd.s32 v11, v21;
	v28 =	vld.idx.msk [tilespmem:v28+s2+$0x0], $0xffff  }
0xcb: {  	v29 =	vld.idx.msk [tilespmem:v56+s2+$0x0], $0xffff;
	[tilespmem:s26+$0x12B00] =	vst v30;
	v30 =	vadd.s32 v11, v22  }
0xcc: {  	v18 =	vadd.s32 v15, v18;
	v31 =	vld.idx.msk [tilespmem:v31+s2+$0x0], $0xffff;
	[tilespmem:s28+$0x12B00] =	vst v32  }
0xcd: {  	v57 =	vadd.s32 v12, v17;
	v25 =	vld.idx.msk [tilespmem:v25+s2+$0x0], $0xffff;
	[tilespmem:s30+$0x12B00] =	vst v26  }
0xce: {  	v26 =	vadd.s32 v12, v19;
	v24 =	vld.idx.msk [tilespmem:v24+s2+$0x0], $0xffff;
	[tilespmem:s1+$0x12B00] =	vst v27  }
0xcf: {  	v27 =	vadd.s32 v12, v20;
	v23 =	vld.idx.msk [tilespmem:v23+s2+$0x0], $0xffff;
	[tilespmem:s17+$0x12B00] =	vst v28  }
0xd0: {  	[tilespmem:s24+$0x12C00] =	vst v29;
	v28 =	vadd.s32 v12, v21;
	v29 =	vld.idx.msk [tilespmem:v30+s2+$0x0], $0xffff  }
0xd1: {  	v18 =	vld.idx.msk [tilespmem:v18+s2+$0x0], $0xffff;
	[tilespmem:s26+$0x12B80] =	vst v31;
	v30 =	vadd.s32 v12, v22  }
0xd2: {  	v31 =	vadd.s32 v13, v16;
	v32 =	vld.idx.msk [tilespmem:v57+s2+$0x0], $0xffff;
	[tilespmem:s28+$0x12B80] =	vst v25  }
0xd3: {  	v25 =	vadd.s32 v13, v17;
	v26 =	vld.idx.msk [tilespmem:v26+s2+$0x0], $0xffff;
	[tilespmem:s30+$0x12B80] =	vst v24  }
0xd4: {  	v24 =	vadd.s32 v13, v19;
	v27 =	vld.idx.msk [tilespmem:v27+s2+$0x0], $0xffff;
	[tilespmem:s1+$0x12B80] =	vst v23  }
0xd5: {  	v23 =	vadd.s32 v13, v20;
	v28 =	vld.idx.msk [tilespmem:v28+s2+$0x0], $0xffff;
	[tilespmem:s17+$0x12B80] =	vst v29  }
0xd6: {  	[tilespmem:s25+$0x12D80] =	vst v18;
	v18 =	vadd.s32 v13, v21;
	v29 =	vld.idx.msk [tilespmem:v30+s2+$0x0], $0xffff  }
0xd7: {  	[tilespmem:s26+$0x12C00] =	vst v32;
	v30 =	vld.idx.msk [tilespmem:v31+s2+$0x0], $0xffff;
	v31 =	vadd.s32 v13, v22  }
0xd8: {  	v58 =	vadd.s32 v14, v16;
	v25 =	vld.idx.msk [tilespmem:v25+s2+$0x0], $0xffff;
	[tilespmem:s28+$0x12C00] =	vst v26  }
0xd9: {  	v26 =	vadd.s32 v14, v17;
	v24 =	vld.idx.msk [tilespmem:v24+s2+$0x0], $0xffff;
	[tilespmem:s30+$0x12C00] =	vst v27  }
0xda: {  	v27 =	vadd.s32 v14, v19;
	v23 =	vld.idx.msk [tilespmem:v23+s2+$0x0], $0xffff;
	[tilespmem:s1+$0x12C00] =	vst v28  }
0xdb: {  	v28 =	vadd.s32 v14, v20;
	v18 =	vld.idx.msk [tilespmem:v18+s2+$0x0], $0xffff;
	[tilespmem:s17+$0x12C00] =	vst v29  }
0xdc: {  	[tilespmem:s24+$0x12C80] =	vst v30;
	v29 =	vadd.s32 v14, v21;
	v30 =	vld.idx.msk [tilespmem:v31+s2+$0x0], $0xffff  }
0xdd: {  	[tilespmem:s26+$0x12C80] =	vst v25;
	v25 =	vadd.s32 v14, v22;
	v31 =	vld.idx.msk [tilespmem:v58+s2+$0x0], $0xffff  }
0xde: {  	v16 =	vadd.s32 v15, v16;
	v26 =	vld.idx.msk [tilespmem:v26+s2+$0x0], $0xffff;
	[tilespmem:s28+$0x12C80] =	vst v24  }
0xdf: {  	v17 =	vadd.s32 v15, v17;
	v24 =	vld.idx.msk [tilespmem:v27+s2+$0x0], $0xffff;
	[tilespmem:s30+$0x12C80] =	vst v23  }
0xe0: {  	v19 =	vadd.s32 v15, v19;
	v23 =	vld.idx.msk [tilespmem:v28+s2+$0x0], $0xffff;
	[tilespmem:s1+$0x12C80] =	vst v18  }
0xe1: {  	v18 =	vadd.s32 v15, v20;
	v20 =	vld.idx.msk [tilespmem:v29+s2+$0x0], $0xffff;
	[tilespmem:s17+$0x12C80] =	vst v30  }
0xe2: {  	v21 =	vadd.s32 v15, v21;
	[tilespmem:s24+$0x12D00] =	vst v31;
	v25 =	vld.idx.msk [tilespmem:v25+s2+$0x0], $0xffff  }
0xe3: {  	v22 =	vadd.s32 v15, v22;
	[tilespmem:s26+$0x12D00] =	vst v26;
	v16 =	vld.idx.msk [tilespmem:v16+s2+$0x0], $0xffff  }
0xe4: {  	v17 =	vld.idx.msk [tilespmem:v17+s2+$0x0], $0xffff;
	[tilespmem:s28+$0x12D00] =	vst v24  }
0xe5: {  	v19 =	vld.idx.msk [tilespmem:v19+s2+$0x0], $0xffff;
	[tilespmem:s30+$0x12D00] =	vst v23  }
0xe6: {  	v18 =	vld.idx.msk [tilespmem:v18+s2+$0x0], $0xffff;
	[tilespmem:s1+$0x12D00] =	vst v20  }
0xe7: {  	v20 =	vld.idx.msk [tilespmem:v21+s2+$0x0], $0xffff;
	[tilespmem:s17+$0x12D00] =	vst v25  }
0xe8: {  	[tilespmem:s24+$0x12D80] =	vst v16;
	v16 =	vld.idx.msk [tilespmem:v22+s2+$0x0], $0xffff  }
0xe9: {  	[tilespmem:s26+$0x12D80] =	vst v17  }
0xea: {  	[tilespmem:s28+$0x12D80] =	vst v19  }
0xeb: {  	[tilespmem:s30+$0x12D80] =	vst v18  }
0xec: {  	[tilespmem:s1+$0x12D80] =	vst v20  }
0xed: {  	s1 =	simm.s32 @!p1 $0x2;
	[tilespmem:s17+$0x12D80] =	vst v16;
	s17 =	sadd.s32 s23, s5  }
0xee: {  	[hbm4b:s17+s11] =	stream.strided.scatter [tilespmem:s13], [sflag:$0x1], $0x6800, s12, s11, $0x38;
	[tilespmem:$0x1C600] =	vst v63  }
0xef: {  	s18 =	sadd.s32 $0x0, s20;
	s0 =	simm.s32 $0x0;
	_ =	swait.ge @!p1 [sflag:s1], $0x6800  }
0xf0: {  	s3 =	sand.u32 $0x1FF80, s18;
	s24 =	sand.u32 $0x70, s0;
	[sflag:s1] =	ssyncset.done @!p1 $0x0  }
0xf1: {  	s25 =	sor.u32 s24, s3;
	[sflag:s1] =	ssyncadd.s32 @!p1 $0xFFFF9800  }
0xf2: {  	v16 =	vld [tilespmem:s25+$0x3280];
	_ =	sdelay $0x4  }
0xf3: {  	v22 =	vshll.u32 v16, $0x4  }
0xf4: {  	v16 =	vadd.s32 v0, v22;
	_ =	sdelay $0x4  }
0xf5: {  	v16 =	vld.idx.msk [tilespmem:v16+s2+$0x0], $0xffff  }
0xf6: {  	s6 =	sadd.s32 $0x10, s20;
	s26 =	simm.s32 $0x10;
	v17 =	vadd.s32 v1, v22  }
0xf7: {  	s3 =	sand.u32 $0x1FF80, s6;
	s1 =	sand.u32 $0x70, s26  }
0xf8: {  	s7 =	sand.u32 $0x3C00, s0;
	s3 =	sor.u32 s1, s3  }
0xf9: {  	s29 =	sor.u32 s24, s7;
	v18 =	vld [tilespmem:s3+$0x3280]  }
0xfa: {  	[tilespmem:s29+$0x15E00] =	vst v16  }
0xfb: {  	v16 =	vld.idx.msk [tilespmem:v17+s2+$0x0], $0xffff  }
0xfc: {  	v19 =	vadd.s32 v2, v22;
	_ =	sdelay $0x1  }
0xfd: {  	v17 =	vshll.u32 v18, $0x4  }
0xfe: {  	s3 =	sadd.s32 $0x15E00, s29;
	v18 =	vadd.s32 v0, v17  }
0xff: {  	[tilespmem:s3+$0x80] =	vst v16  }
0x100: {  	v16 =	vld.idx.msk [tilespmem:v19+s2+$0x0], $0xffff  }
0x101: {  	v19 =	vadd.s32 v3, v22  }
0x102: {  	s8 =	simm.s32 $0x20;
	s10 =	sadd.s32 $0x20, s20  }
0x103: {  	s15 =	sand.u32 $0x70, s8;
	s6 =	sand.u32 $0x1FF80, s10;
	v18 =	vld.idx.msk [tilespmem:v18+s2+$0x0], $0xffff  }
0x104: {  	s4 =	sor.u32 s15, s6;
	v20 =	vadd.s32 v1, v17  }
0x105: {  	s17 =	simm.s32 $0x80;
	v21 =	vld [tilespmem:s4+$0x3280];
	[tilespmem:s3+$0x100] =	vst v16  }
0x106: {  	s4 =	sand.u32 $0x3C00, s17;
	v16 =	vld.idx.msk [tilespmem:v19+s2+$0x0], $0xffff  }
0x107: {  	s25 =	sor.u32 s1, s4;
	v19 =	vadd.s32 v4, v22  }
0x108: {  	[tilespmem:s25+$0x15E00] =	vst v18  }
0x109: {  	v18 =	vld.idx.msk [tilespmem:v20+s2+$0x0], $0xffff  }
0x10a: {  	v20 =	vadd.s32 v2, v17  }
0x10b: {  	[tilespmem:s3+$0x180] =	vst v16;
	v16 =	vshll.u32 v21, $0x4  }
0x10c: {  	v19 =	vld.idx.msk [tilespmem:v19+s2+$0x0], $0xffff;
	v21 =	vadd.s32 v0, v16  }
0x10d: {  	s4 =	sadd.s32 $0x15E00, s25;
	v23 =	vadd.s32 v5, v22  }
0x10e: {  	[tilespmem:s4+$0x80] =	vst v18  }
0x10f: {  	v18 =	vld.idx.msk [tilespmem:v20+s2+$0x0], $0xffff  }
0x110: {  	v20 =	vadd.s32 v3, v17  }
0x111: {  	s18 =	simm.s32 $0x30;
	s24 =	sadd.s32 $0x30, s20;
	v21 =	vld.idx.msk [tilespmem:v21+s2+$0x0], $0xffff;
	[tilespmem:s3+$0x200] =	vst v19  }
0x112: {  	s10 =	sand.u32 $0x70, s18;
	s6 =	sand.u32 $0x1FF80, s24;
	v19 =	vld.idx.msk [tilespmem:v23+s2+$0x0], $0xffff;
	v23 =	vadd.s32 v1, v16  }
0x113: {  	s26 =	simm.s32 $0x100;
	s1 =	sor.u32 s10, s6;
	v24 =	vadd.s32 v6, v22  }
0x114: {  	s6 =	sand.u32 $0x3C00, s26;
	v25 =	vld [tilespmem:s1+$0x3280];
	[tilespmem:s4+$0x100] =	vst v18  }
0x115: {  	s24 =	sor.u32 s15, s6;
	v18 =	vld.idx.msk [tilespmem:v20+s2+$0x0], $0xffff  }
0x116: {  	v20 =	vadd.s32 v4, v17;
	[tilespmem:s24+$0x15E00] =	vst v21  }
0x117: {  	v21 =	vld.idx.msk [tilespmem:v23+s2+$0x0], $0xffff;
	[tilespmem:s3+$0x280] =	vst v19  }
0x118: {  	v23 =	vadd.s32 v2, v16;
	v19 =	vld.idx.msk [tilespmem:v24+s2+$0x0], $0xffff  }
0x119: {  	v24 =	vadd.s32 v7, v22  }
0x11a: {  	[tilespmem:s4+$0x180] =	vst v18;
	v18 =	vshll.u32 v25, $0x4  }
0x11b: {  	s1 =	sadd.s32 $0x15E00, s24;
	v20 =	vld.idx.msk [tilespmem:v20+s2+$0x0], $0xffff;
	v25 =	vadd.s32 v0, v18  }
0x11c: {  	[tilespmem:s1+$0x80] =	vst v21;
	v21 =	vadd.s32 v5, v17  }
0x11d: {  	v23 =	vld.idx.msk [tilespmem:v23+s2+$0x0], $0xffff;
	[tilespmem:s3+$0x300] =	vst v19  }
0x11e: {  	v19 =	vld.idx.msk [tilespmem:v24+s2+$0x0], $0xffff;
	v24 =	vadd.s32 v3, v16  }
0x11f: {  	s8 =	simm.s32 $0x40;
	s17 =	sand.u32 $0x7, s0;
	s15 =	sadd.s32 $0x40, s20;
	v26 =	vadd.s32 v8, v22  }
0x120: {  	s0 =	sand.u32 $0x70, s8;
	s18 =	sshll.u32 s17, $0x4;
	s6 =	sand.u32 $0x1FF80, s15;
	v25 =	vld.idx.msk [tilespmem:v25+s2+$0x0], $0xffff;
	[tilespmem:s4+$0x200] =	vst v20  }
0x121: {  	s6 =	sor.u32 s0, s6;
	s3 =	sadd.s32 $0x0, s18;
	v20 =	vld.idx.msk [tilespmem:v21+s2+$0x0], $0xffff;
	v21 =	vadd.s32 v1, v18  }
0x122: {  	s26 =	simm.s32 $0x180;
	v27 =	vld [tilespmem:s6+$0x3280];
	s3 =	sor.u32 $0x380, s3;
	[tilespmem:s1+$0x100] =	vst v23;
	v23 =	vadd.s32 v6, v17  }
0x123: {  	s6 =	sand.u32 $0x3C00, s26;
	v24 =	vld.idx.msk [tilespmem:v24+s2+$0x0], $0xffff;
	[tilespmem:s3+$0x15E00] =	vst v19  }
0x124: {  	s26 =	sor.u32 s10, s6;
	v28 =	vadd.s32 v4, v16;
	v26 =	vld.idx.msk [tilespmem:v26+s2+$0x0], $0xffff  }
0x125: {  	[tilespmem:s26+$0x15E00] =	vst v25;
	v25 =	vadd.s32 v9, v22  }
0x126: {  	v21 =	vld.idx.msk [tilespmem:v21+s2+$0x0], $0xffff;
	[tilespmem:s4+$0x280] =	vst v20  }
0x127: {  	v20 =	vld.idx.msk [tilespmem:v23+s2+$0x0], $0xffff;
	v23 =	vadd.s32 v2, v18  }
0x128: {  	v19 =	vshll.u32 v27, $0x4;
	[tilespmem:s1+$0x180] =	vst v24;
	v24 =	vadd.s32 v7, v17  }
0x129: {  	v27 =	vld.idx.msk [tilespmem:v28+s2+$0x0], $0xffff;
	[tilespmem:s29+$0x19200] =	vst v26;
	v26 =	vadd.s32 v0, v19  }
0x12a: {  	s3 =	sadd.s32 $0x15E00, s26;
	v28 =	vadd.s32 v5, v16;
	v25 =	vld.idx.msk [tilespmem:v25+s2+$0x0], $0xffff  }
0x12b: {  	[tilespmem:s3+$0x80] =	vst v21;
	v21 =	vadd.s32 v10, v22  }
0x12c: {  	v23 =	vld.idx.msk [tilespmem:v23+s2+$0x0], $0xffff;
	[tilespmem:s4+$0x300] =	vst v20  }
0x12d: {  	s7 =	simm.s32 $0x1;
	v20 =	vld.idx.msk [tilespmem:v24+s2+$0x0], $0xffff;
	v24 =	vadd.s32 v3, v18  }
0x12e: {  	s8 =	simm.s32 $0x50;
	s15 =	sand.u32 $0x7, s7;
	s10 =	sadd.s32 $0x50, s20;
	v26 =	vld.idx.msk [tilespmem:v26+s2+$0x0], $0xffff;
	[tilespmem:s1+$0x200] =	vst v27;
	v27 =	vadd.s32 v8, v17  }
0x12f: {  	s17 =	sshll.u32 s15, $0x4;
	s7 =	sand.u32 $0x1FF80, s10;
	s4 =	sand.u32 $0x70, s8;
	v28 =	vld.idx.msk [tilespmem:v28+s2+$0x0], $0xffff;
	[tilespmem:s29+$0x19280] =	vst v25;
	v25 =	vadd.s32 v1, v19  }
0x130: {  	s31 =	simm.s32 $0x200;
	s6 =	sadd.s32 $0x80, s17;
	v29 =	vadd.s32 v6, v16;
	s7 =	sor.u32 s4, s7;
	v21 =	vld.idx.msk [tilespmem:v21+s2+$0x0], $0xffff  }
0x131: {  	s6 =	sor.u32 $0x380, s6;
	s18 =	sand.u32 $0x3C00, s31;
	v30 =	vld [tilespmem:s7+$0x3280];
	[tilespmem:s3+$0x100] =	vst v23;
	v23 =	vadd.s32 v11, v22  }
0x132: {  	s28 =	sor.u32 s0, s18;
	v24 =	vld.idx.msk [tilespmem:v24+s2+$0x0], $0xffff;
	[tilespmem:s6+$0x15E00] =	vst v20  }
0x133: {  	v27 =	vld.idx.msk [tilespmem:v27+s2+$0x0], $0xffff;
	[tilespmem:s28+$0x15E00] =	vst v26;
	v26 =	vadd.s32 v4, v18  }
0x134: {  	s8 =	sadd.s32 $0x60, s20;
	s7 =	simm.s32 $0x60;
	v25 =	vld.idx.msk [tilespmem:v25+s2+$0x0], $0xffff;
	[tilespmem:s1+$0x280] =	vst v28;
	v28 =	vadd.s32 v9, v17  }
0x135: {  	s17 =	sand.u32 $0x70, s7;
	s6 =	sand.u32 $0x1FF80, s8;
	v29 =	vld.idx.msk [tilespmem:v29+s2+$0x0], $0xffff;
	[tilespmem:s29+$0x19300] =	vst v21;
	v21 =	vadd.s32 v2, v19  }
0x136: {  	v31 =	vadd.s32 v7, v16;
	s0 =	sor.u32 s17, s6;
	v23 =	vld.idx.msk [tilespmem:v23+s2+$0x0], $0xffff  }
0x137: {  	v20 =	vshll.u32 v30, $0x4;
	v59 =	vld [tilespmem:s0+$0x3280];
	[tilespmem:s3+$0x180] =	vst v24;
	v24 =	vadd.s32 v12, v22  }
0x138: {  	s0 =	sadd.s32 $0x15E00, s28;
	v26 =	vld.idx.msk [tilespmem:v26+s2+$0x0], $0xffff;
	[tilespmem:s25+$0x19200] =	vst v27;
	v27 =	vadd.s32 v0, v20  }
0x139: {  	v28 =	vld.idx.msk [tilespmem:v28+s2+$0x0], $0xffff;
	[tilespmem:s0+$0x80] =	vst v25;
	v25 =	vadd.s32 v5, v18  }
0x13a: {  	v21 =	vld.idx.msk [tilespmem:v21+s2+$0x0], $0xffff;
	[tilespmem:s1+$0x300] =	vst v29;
	v29 =	vadd.s32 v10, v17  }
0x13b: {  	s10 =	simm.s32 $0x2;
	v30 =	vld.idx.msk [tilespmem:v31+s2+$0x0], $0xffff;
	[tilespmem:s29+$0x19380] =	vst v23;
	v23 =	vadd.s32 v3, v19  }
0x13c: {  	s1 =	sand.u32 $0x7, s10;
	v31 =	vadd.s32 v8, v16;
	v24 =	vld.idx.msk [tilespmem:v24+s2+$0x0], $0xffff  }
0x13d: {  	s1 =	sshll.u32 s1, $0x4;
	v27 =	vld.idx.msk [tilespmem:v27+s2+$0x0], $0xffff;
	[tilespmem:s3+$0x200] =	vst v26;
	v26 =	vadd.s32 v13, v22  }
0x13e: {  	s15 =	sadd.s32 $0x100, s1;
	v25 =	vld.idx.msk [tilespmem:v25+s2+$0x0], $0xffff;
	[tilespmem:s25+$0x19280] =	vst v28;
	v28 =	vadd.s32 v1, v20  }
0x13f: {  	s1 =	simm.s32 $0x280;
	s6 =	sor.u32 $0x380, s15;
	v29 =	vld.idx.msk [tilespmem:v29+s2+$0x0], $0xffff;
	[tilespmem:s0+$0x100] =	vst v21;
	v21 =	vadd.s32 v6, v18  }
0x140: {  	s18 =	sand.u32 $0x3C00, s1;
	v23 =	vld.idx.msk [tilespmem:v23+s2+$0x0], $0xffff;
	[tilespmem:s6+$0x15E00] =	vst v30  }
0x141: {  	s30 =	sor.u32 s4, s18;
	v30 =	vadd.s32 v11, v17;
	v31 =	vld.idx.msk [tilespmem:v31+s2+$0x0], $0xffff;
	[tilespmem:s29+$0x19400] =	vst v24  }
0x142: {  	s7 =	simm.s32 $0x70;
	s8 =	sadd.s32 $0x70, s20;
	v24 =	vadd.s32 v4, v19;
	[tilespmem:s30+$0x15E00] =	vst v27;
	v26 =	vld.idx.msk [tilespmem:v26+s2+$0x0], $0xffff  }
0x143: {  	s18 =	sand.u32 $0x70, s7;
	s6 =	sand.u32 $0x1FF80, s8;
	v27 =	vld.idx.msk [tilespmem:v28+s2+$0x0], $0xffff;
	[tilespmem:s3+$0x280] =	vst v25;
	v25 =	vadd.s32 v9, v16  }
0x144: {  	v60 =	vadd.s32 v14, v22;
	s4 =	sor.u32 s18, s6;
	v28 =	vld.idx.msk [tilespmem:v21+s2+$0x0], $0xffff  }
0x145: {  	v61 =	vadd.s32 v2, v20;
	[tilespmem:s25+$0x19300] =	vst v29;
	v29 =	vld [tilespmem:s4+$0x3280]  }
0x146: {  	v21 =	vshll.u32 v59, $0x4;
	v30 =	vld.idx.msk [tilespmem:v30+s2+$0x0], $0xffff;
	[tilespmem:s0+$0x180] =	vst v23;
	v23 =	vadd.s32 v7, v18  }
0x147: {  	v32 =	vadd.s32 v0, v21;
	v24 =	vld.idx.msk [tilespmem:v24+s2+$0x0], $0xffff;
	[tilespmem:s24+$0x19200] =	vst v31  }
0x148: {  	s6 =	sadd.s32 $0x15E00, s30;
	v31 =	vadd.s32 v12, v17;
	[tilespmem:s29+$0x19480] =	vst v26;
	v62 =	vld.idx.msk [tilespmem:v25+s2+$0x0], $0xffff  }
0x149: {  	[tilespmem:s6+$0x80] =	vst v27;
	v27 =	vadd.s32 v5, v19;
	v63 =	vld.idx.msk [tilespmem:v60+s2+$0x0], $0xffff  }
0x14a: {  	v37 =	vld.idx.msk [tilespmem:v61+s2+$0x0], $0xffff;
	[tilespmem:s3+$0x300] =	vst v28;
	v28 =	vadd.s32 v10, v16  }
0x14b: {  	v22 =	vadd.s32 v15, v22;
	v25 =	vld.idx.msk [tilespmem:v23+s2+$0x0], $0xffff  }
0x14c: {  	s3 =	simm.s32 $0x3;
	[tilespmem:s25+$0x19380] =	vst v30;
	v33 =	vld.idx.msk [tilespmem:v32+s2+$0x0], $0xffff;
	v32 =	vadd.s32 v3, v20  }
0x14d: {  	s10 =	sand.u32 $0x7, s3;
	v26 =	vld.idx.msk [tilespmem:v31+s2+$0x0], $0xffff;
	[tilespmem:s0+$0x200] =	vst v24;
	v24 =	vadd.s32 v8, v18  }
0x14e: {  	v23 =	vadd.s32 v13, v17;
	s4 =	sshll.u32 s10, $0x4;
	v30 =	vld.idx.msk [tilespmem:v27+s2+$0x0], $0xffff;
	[tilespmem:s24+$0x19280] =	vst v62  }
0x14f: {  	s23 =	sadd.s32 $0x680, s23;
	v34 =	vadd.s32 v1, v21;
	s15 =	sadd.s32 $0x180, s4;
	[tilespmem:s29+$0x19500] =	vst v63;
	v27 =	vld.idx.msk [tilespmem:v28+s2+$0x0], $0xffff  }
0x150: {  	s10 =	simm.s32 $0x300;
	v31 =	vadd.s32 v6, v19;
	s4 =	simm.s32 $0x80;
	s7 =	sor.u32 $0x380, s15;
	[tilespmem:s6+$0x100] =	vst v37;
	v28 =	vld.idx.msk [tilespmem:v22+s2+$0x0], $0xffff  }
.LBB2_5:
0x151: {  	p1 =	sne.s32 s4, $0x670;
	s8 =	sand.u32 $0x3C00, s10;
	v22 =	vld.idx.msk [tilespmem:v32+s2+$0x0], $0xffff;
	[tilespmem:s7+$0x15E00] =	vst v25;
	v25 =	vadd.s32 v11, v16  }
0x152: {  	s7 =	sor.u32 s17, s8;
	v24 =	vld.idx.msk [tilespmem:v24+s2+$0x0], $0xffff;
	[tilespmem:s25+$0x19400] =	vst v26;
	s17 =	smov.u32 s18  }
0x153: {  	v26 =	vadd.s32 v4, v20;
	[tilespmem:s7+$0x15E00] =	vst v33;
	v23 =	vld.idx.msk [tilespmem:v23+s2+$0x0], $0xffff  }
0x154: {  	s8 =	sadd.s32 s4, s20;
	v32 =	vld.idx.msk [tilespmem:v34+s2+$0x0], $0xffff;
	[tilespmem:s0+$0x280] =	vst v30;
	v30 =	vadd.s32 v9, v18  }
0x155: {  	s18 =	sand.u32 $0x70, s4;
	s8 =	sand.u32 $0x1FF80, s8;
	v31 =	vld.idx.msk [tilespmem:v31+s2+$0x0], $0xffff;
	[tilespmem:s24+$0x19300] =	vst v27;
	v27 =	vadd.s32 v14, v17  }
0x156: {  	v33 =	vadd.s32 v2, v21;
	s8 =	sor.u32 s18, s8;
	v34 =	vld.idx.msk [tilespmem:v25+s2+$0x0], $0xffff;
	[tilespmem:s29+$0x19580] =	vst v28;
	s29 =	smov.u32 s25;
	s25 =	smov.u32 s24  }
0x157: {  	s24 =	smov.u32 s26;
	s26 =	smov.u32 s28;
	s28 =	smov.u32 s30;
	v28 =	vld [tilespmem:s8+$0x3280];
	[tilespmem:s6+$0x180] =	vst v22;
	v22 =	vadd.s32 v7, v19  }
0x158: {  	v35 =	vshll.u32 v29, $0x4;
	s30 =	smov.u32 s7;
	v36 =	vld.idx.msk [tilespmem:v26+s2+$0x0], $0xffff;
	[tilespmem:s24+$0x19200] =	vst v24;
	v24 =	vadd.s32 v12, v16  }
0x159: {  	v37 =	vadd.s32 v0, v35;
	s7 =	sadd.s32 $0x15E00, s30;
	v38 =	vld.idx.msk [tilespmem:v30+s2+$0x0], $0xffff;
	[tilespmem:s29+$0x19480] =	vst v23  }
0x15a: {  	v23 =	vadd.s32 v5, v20;
	[tilespmem:s7+$0x80] =	vst v32;
	v39 =	vld.idx.msk [tilespmem:v27+s2+$0x0], $0xffff  }
0x15b: {  	v27 =	vadd.s32 v10, v18;
	v40 =	vld.idx.msk [tilespmem:v33+s2+$0x0], $0xffff;
	[tilespmem:s0+$0x300] =	vst v31;
	s0 =	smov.u32 s6;
	s6 =	smov.u32 s7  }
0x15c: {  	v25 =	vld.idx.msk [tilespmem:v22+s2+$0x0], $0xffff;
	[tilespmem:s25+$0x19380] =	vst v34;
	v22 =	vadd.s32 v15, v17;
	v29 =	vmovc v28;
	v17 =	vmov v16;
	v16 =	vmov v18  }
.Ltmp3:
0x15d: {  	s3 =	sadd.s32 $0x1, s3;
	v32 =	vadd.s32 v3, v21;
	v18 =	vmovc v19;
	v19 =	vmovc v20;
	v20 =	vmov v21;
	v21 =	vmov v35;
	v26 =	vld.idx.msk [tilespmem:v24+s2+$0x0], $0xffff;
	(pc) =	sbr.rel @p1 .LBB2_5-.Ltmp3, $4  }
0x15e: {  	s7 =	sand.u32 $0x7, s3;
	v24 =	vadd.s32 v8, v18;
	v33 =	vld.idx.msk [tilespmem:v37+s2+$0x0], $0xffff;
	[tilespmem:s0+$0x200] =	vst v36  }
0x15f: {  	s7 =	sshll.u32 s7, $0x4;
	v30 =	vld.idx.msk [tilespmem:v23+s2+$0x0], $0xffff;
	[tilespmem:s24+$0x19280] =	vst v38;
	v23 =	vadd.s32 v13, v17  }
0x160: {  	v34 =	vadd.s32 v1, v21;
	s7 =	sadd.s32 s7, s31;
	s31 =	smov.u32 s1;
	s1 =	smov.u32 s10;
	v27 =	vld.idx.msk [tilespmem:v27+s2+$0x0], $0xffff;
	[tilespmem:s29+$0x19500] =	vst v39  }
0x161: {  	s4 =	sadd.s32 $0x10, s4;
	s10 =	sadd.s32 $0x80, s10;
	v31 =	vadd.s32 v6, v19;
	s7 =	sor.u32 $0x380, s7;
	[tilespmem:s6+$0x100] =	vst v40;
	v28 =	vld.idx.msk [tilespmem:v22+s2+$0x0], $0xffff  }
0x162: {  	v22 =	vshll.u32 v29, $0x4  }
0x163: {  	v29 =	vadd.s32 v0, v22;
	_ =	sdelay $0x4  }
0x164: {  	v29 =	vld.idx.msk [tilespmem:v29+s2+$0x0], $0xffff  }
0x165: {  	v35 =	vadd.s32 v1, v22  }
0x166: {  	s8 =	sand.u32 $0x3C00, s10;
	s4 =	sadd.s32 $0x80, s10  }
0x167: {  	s17 =	sor.u32 s17, s8;
	s15 =	sand.u32 $0x3C00, s4  }
0x168: {  	[tilespmem:s17+$0x15E00] =	vst v33;
	s18 =	sor.u32 s18, s15  }
0x169: {  	v33 =	vld.idx.msk [tilespmem:v34+s2+$0x0], $0xffff;
	[tilespmem:s18+$0x15E00] =	vst v29  }
0x16a: {  	v52 =	vadd.s32 v2, v21;
	v53 =	vld.idx.msk [tilespmem:v35+s2+$0x0], $0xffff  }
0x16b: {  	v54 =	vadd.s32 v2, v22;
	_ =	sdelay $0x1  }
0x16c: {  	s8 =	sadd.s32 $0x15E00, s17  }
0x16d: {  	s15 =	sadd.s32 $0x15E00, s18;
	[tilespmem:s8+$0x80] =	vst v33  }
0x16e: {  	v29 =	vld.idx.msk [tilespmem:v52+s2+$0x0], $0xffff;
	[tilespmem:s15+$0x80] =	vst v53  }
0x16f: {  	v55 =	vadd.s32 v3, v21;
	v34 =	vld.idx.msk [tilespmem:v54+s2+$0x0], $0xffff  }
0x170: {  	v56 =	vadd.s32 v3, v22;
	_ =	sdelay $0x2  }
0x171: {  	v32 =	vld.idx.msk [tilespmem:v32+s2+$0x0], $0xffff;
	[tilespmem:s8+$0x100] =	vst v29  }
0x172: {  	v36 =	vadd.s32 v4, v20;
	v29 =	vld.idx.msk [tilespmem:v55+s2+$0x0], $0xffff;
	[tilespmem:s15+$0x100] =	vst v34  }
0x173: {  	v57 =	vadd.s32 v4, v21;
	v34 =	vld.idx.msk [tilespmem:v56+s2+$0x0], $0xffff  }
0x174: {  	v58 =	vadd.s32 v4, v22;
	_ =	sdelay $0x1  }
0x175: {  	[tilespmem:s6+$0x180] =	vst v32  }
0x176: {  	v32 =	vld.idx.msk [tilespmem:v36+s2+$0x0], $0xffff;
	[tilespmem:s8+$0x180] =	vst v29  }
0x177: {  	v59 =	vadd.s32 v5, v20;
	v29 =	vld.idx.msk [tilespmem:v57+s2+$0x0], $0xffff;
	[tilespmem:s15+$0x180] =	vst v34  }
0x178: {  	v60 =	vadd.s32 v5, v21;
	v34 =	vld.idx.msk [tilespmem:v58+s2+$0x0], $0xffff  }
0x179: {  	v61 =	vadd.s32 v5, v22;
	_ =	sdelay $0x1  }
0x17a: {  	[tilespmem:s6+$0x200] =	vst v32  }
0x17b: {  	v32 =	vld.idx.msk [tilespmem:v59+s2+$0x0], $0xffff;
	[tilespmem:s8+$0x200] =	vst v29  }
0x17c: {  	v62 =	vadd.s32 v6, v20;
	v33 =	vld.idx.msk [tilespmem:v60+s2+$0x0], $0xffff;
	[tilespmem:s15+$0x200] =	vst v34  }
0x17d: {  	v63 =	vadd.s32 v6, v21;
	v35 =	vld.idx.msk [tilespmem:v61+s2+$0x0], $0xffff  }
0x17e: {  	v36 =	vadd.s32 v6, v22  }
0x17f: {  	[tilespmem:s0+$0x280] =	vst v30  }
0x180: {  	v31 =	vld.idx.msk [tilespmem:v31+s2+$0x0], $0xffff;
	[tilespmem:s6+$0x280] =	vst v32  }
0x181: {  	v37 =	vadd.s32 v7, v19;
	v29 =	vld.idx.msk [tilespmem:v62+s2+$0x0], $0xffff;
	[tilespmem:s8+$0x280] =	vst v33  }
0x182: {  	v38 =	vadd.s32 v7, v20;
	v34 =	vld.idx.msk [tilespmem:v63+s2+$0x0], $0xffff;
	[tilespmem:s15+$0x280] =	vst v35  }
0x183: {  	[tilespmem:s7+$0x15E00] =	vst v25;
	v39 =	vadd.s32 v7, v21;
	v30 =	vld.idx.msk [tilespmem:v36+s2+$0x0], $0xffff  }
0x184: {  	s7 =	sadd.s32 $0x1, s3;
	[tilespmem:s25+$0x19400] =	vst v26;
	v40 =	vadd.s32 v7, v22  }
0x185: {  	s3 =	sand.u32 $0x7, s7;
	[tilespmem:s0+$0x300] =	vst v31  }
0x186: {  	s3 =	sshll.u32 s3, $0x4;
	v41 =	vld.idx.msk [tilespmem:v37+s2+$0x0], $0xffff;
	[tilespmem:s6+$0x300] =	vst v29  }
0x187: {  	v42 =	vadd.s32 v8, v19;
	s3 =	sadd.s32 s3, s31;
	s0 =	sadd.s32 $0x1, s7;
	v43 =	vld.idx.msk [tilespmem:v38+s2+$0x0], $0xffff;
	[tilespmem:s8+$0x300] =	vst v34  }
0x188: {  	v44 =	vadd.s32 v8, v20;
	s3 =	sor.u32 $0x380, s3;
	s8 =	sand.u32 $0x7, s0;
	s0 =	sadd.s32 $0x1, s0;
	v25 =	vld.idx.msk [tilespmem:v39+s2+$0x0], $0xffff;
	[tilespmem:s15+$0x300] =	vst v30  }
0x189: {  	v45 =	vadd.s32 v8, v21;
	[tilespmem:s24+$0x19300] =	vst v27;
	s6 =	sshll.u32 s8, $0x4;
	s31 =	sand.u32 $0x7, s0;
	s0 =	sadd.s32 $0x1, s0;
	v30 =	vld.idx.msk [tilespmem:v40+s2+$0x0], $0xffff  }
0x18a: {  	v24 =	vld.idx.msk [tilespmem:v24+s2+$0x0], $0xffff;
	v46 =	vadd.s32 v8, v22;
	[tilespmem:s29+$0x19580] =	vst v28;
	s1 =	sadd.s32 s6, s1;
	s8 =	sshll.u32 s31, $0x4;
	s0 =	sand.u32 $0x7, s0  }
0x18b: {  	v48 =	vadd.s32 v9, v18;
	v23 =	vld.idx.msk [tilespmem:v23+s2+$0x0], $0xffff;
	[tilespmem:s3+$0x15E00] =	vst v41;
	s1 =	sor.u32 $0x380, s1;
	s0 =	sshll.u32 s0, $0x4;
	s15 =	sadd.s32 s8, s10  }
0x18c: {  	v47 =	vadd.s32 v11, v16;
	v29 =	vld.idx.msk [tilespmem:v42+s2+$0x0], $0xffff;
	[tilespmem:s1+$0x15E00] =	vst v43;
	s0 =	sadd.s32 s0, s4;
	s29 =	sor.u32 $0x380, s15  }
0x18d: {  	v49 =	vadd.s32 v9, v19;
	v33 =	vld.idx.msk [tilespmem:v44+s2+$0x0], $0xffff;
	s0 =	sor.u32 $0x380, s0;
	[tilespmem:s29+$0x15E00] =	vst v25  }
0x18e: {  	v50 =	vadd.s32 v9, v20;
	v27 =	vld.idx.msk [tilespmem:v45+s2+$0x0], $0xffff;
	[tilespmem:s0+$0x15E00] =	vst v30  }
0x18f: {  	v51 =	vadd.s32 v9, v21;
	[tilespmem:s26+$0x19200] =	vst v24;
	v28 =	vld.idx.msk [tilespmem:v46+s2+$0x0], $0xffff  }
0x190: {  	[tilespmem:s25+$0x19480] =	vst v23;
	v26 =	vld.idx.msk [tilespmem:v48+s2+$0x0], $0xffff;
	v53 =	vadd.s32 v9, v22  }
0x191: {  	v52 =	vld.idx.msk [tilespmem:v47+s2+$0x0], $0xffff;
	v54 =	vadd.s32 v14, v17;
	[tilespmem:s28+$0x19200] =	vst v29  }
0x192: {  	v55 =	vadd.s32 v10, v18;
	v32 =	vld.idx.msk [tilespmem:v49+s2+$0x0], $0xffff;
	[tilespmem:s30+$0x19200] =	vst v33  }
0x193: {  	v56 =	vadd.s32 v10, v19;
	v25 =	vld.idx.msk [tilespmem:v50+s2+$0x0], $0xffff;
	[tilespmem:s17+$0x19200] =	vst v27  }
0x194: {  	v57 =	vadd.s32 v10, v20;
	v24 =	vld.idx.msk [tilespmem:v51+s2+$0x0], $0xffff;
	[tilespmem:s18+$0x19200] =	vst v28  }
0x195: {  	[tilespmem:s26+$0x19280] =	vst v26;
	v58 =	vadd.s32 v10, v21;
	v23 =	vld.idx.msk [tilespmem:v53+s2+$0x0], $0xffff  }
0x196: {  	[tilespmem:s24+$0x19380] =	vst v52;
	v59 =	vld.idx.msk [tilespmem:v54+s2+$0x0], $0xffff;
	v60 =	vadd.s32 v10, v22  }
0x197: {  	v17 =	vadd.s32 v15, v17;
	v29 =	vld.idx.msk [tilespmem:v55+s2+$0x0], $0xffff;
	[tilespmem:s28+$0x19280] =	vst v32  }
0x198: {  	v62 =	vadd.s32 v11, v18;
	v33 =	vld.idx.msk [tilespmem:v56+s2+$0x0], $0xffff;
	[tilespmem:s30+$0x19280] =	vst v25  }
0x199: {  	v63 =	vadd.s32 v11, v19;
	v27 =	vld.idx.msk [tilespmem:v57+s2+$0x0], $0xffff;
	[tilespmem:s17+$0x19280] =	vst v24  }
0x19a: {  	v36 =	vadd.s32 v11, v20;
	v28 =	vld.idx.msk [tilespmem:v58+s2+$0x0], $0xffff;
	[tilespmem:s18+$0x19280] =	vst v23  }
0x19b: {  	v37 =	vadd.s32 v11, v21;
	[tilespmem:s25+$0x19500] =	vst v59;
	v26 =	vld.idx.msk [tilespmem:v60+s2+$0x0], $0xffff  }
0x19c: {  	v17 =	vld.idx.msk [tilespmem:v17+s2+$0x0], $0xffff;
	v39 =	vadd.s32 v11, v22;
	[tilespmem:s26+$0x19300] =	vst v29  }
0x19d: {  	v61 =	vadd.s32 v12, v16;
	v40 =	vld.idx.msk [tilespmem:v62+s2+$0x0], $0xffff;
	[tilespmem:s28+$0x19300] =	vst v33  }
0x19e: {  	v41 =	vadd.s32 v12, v18;
	v25 =	vld.idx.msk [tilespmem:v63+s2+$0x0], $0xffff;
	[tilespmem:s30+$0x19300] =	vst v27  }
0x19f: {  	v42 =	vadd.s32 v12, v19;
	v24 =	vld.idx.msk [tilespmem:v36+s2+$0x0], $0xffff;
	[tilespmem:s17+$0x19300] =	vst v28  }
0x1a0: {  	v43 =	vadd.s32 v12, v20;
	v23 =	vld.idx.msk [tilespmem:v37+s2+$0x0], $0xffff;
	[tilespmem:s18+$0x19300] =	vst v26  }
0x1a1: {  	[tilespmem:s25+$0x19580] =	vst v17;
	v44 =	vadd.s32 v12, v21;
	v29 =	vld.idx.msk [tilespmem:v39+s2+$0x0], $0xffff  }
0x1a2: {  	v38 =	vld.idx.msk [tilespmem:v61+s2+$0x0], $0xffff;
	v45 =	vadd.s32 v12, v22;
	[tilespmem:s26+$0x19380] =	vst v40  }
0x1a3: {  	v46 =	vadd.s32 v13, v16;
	v32 =	vld.idx.msk [tilespmem:v41+s2+$0x0], $0xffff;
	[tilespmem:s28+$0x19380] =	vst v25  }
0x1a4: {  	v47 =	vadd.s32 v13, v18;
	v27 =	vld.idx.msk [tilespmem:v42+s2+$0x0], $0xffff;
	[tilespmem:s30+$0x19380] =	vst v24  }
0x1a5: {  	v48 =	vadd.s32 v13, v19;
	v28 =	vld.idx.msk [tilespmem:v43+s2+$0x0], $0xffff;
	[tilespmem:s17+$0x19380] =	vst v23  }
0x1a6: {  	v49 =	vadd.s32 v13, v20;
	v26 =	vld.idx.msk [tilespmem:v44+s2+$0x0], $0xffff;
	[tilespmem:s18+$0x19380] =	vst v29  }
0x1a7: {  	v17 =	vadd.s32 v13, v21;
	[tilespmem:s24+$0x19400] =	vst v38;
	v29 =	vld.idx.msk [tilespmem:v45+s2+$0x0], $0xffff  }
0x1a8: {  	v51 =	vadd.s32 v13, v22;
	v50 =	vld.idx.msk [tilespmem:v46+s2+$0x0], $0xffff;
	[tilespmem:s26+$0x19400] =	vst v32  }
0x1a9: {  	v52 =	vadd.s32 v14, v16;
	v25 =	vld.idx.msk [tilespmem:v47+s2+$0x0], $0xffff;
	[tilespmem:s28+$0x19400] =	vst v27  }
0x1aa: {  	v53 =	vadd.s32 v14, v18;
	v24 =	vld.idx.msk [tilespmem:v48+s2+$0x0], $0xffff;
	[tilespmem:s30+$0x19400] =	vst v28  }
0x1ab: {  	v54 =	vadd.s32 v14, v19;
	v23 =	vld.idx.msk [tilespmem:v49+s2+$0x0], $0xffff;
	[tilespmem:s17+$0x19400] =	vst v26  }
0x1ac: {  	v55 =	vadd.s32 v14, v20;
	v17 =	vld.idx.msk [tilespmem:v17+s2+$0x0], $0xffff;
	[tilespmem:s18+$0x19400] =	vst v29  }
0x1ad: {  	v56 =	vadd.s32 v14, v21;
	[tilespmem:s24+$0x19480] =	vst v50;
	v57 =	vld.idx.msk [tilespmem:v51+s2+$0x0], $0xffff  }
0x1ae: {  	v59 =	vadd.s32 v14, v22;
	v58 =	vld.idx.msk [tilespmem:v52+s2+$0x0], $0xffff;
	[tilespmem:s26+$0x19480] =	vst v25  }
0x1af: {  	v16 =	vadd.s32 v15, v16;
	v27 =	vld.idx.msk [tilespmem:v53+s2+$0x0], $0xffff;
	[tilespmem:s28+$0x19480] =	vst v24  }
0x1b0: {  	v60 =	vadd.s32 v15, v18;
	v24 =	vld.idx.msk [tilespmem:v54+s2+$0x0], $0xffff;
	[tilespmem:s30+$0x19480] =	vst v23  }
0x1b1: {  	v61 =	vadd.s32 v15, v19;
	v23 =	vld.idx.msk [tilespmem:v55+s2+$0x0], $0xffff;
	[tilespmem:s17+$0x19480] =	vst v17  }
0x1b2: {  	v17 =	vadd.s32 v15, v20;
	v62 =	vld.idx.msk [tilespmem:v56+s2+$0x0], $0xffff;
	[tilespmem:s18+$0x19480] =	vst v57  }
0x1b3: {  	v63 =	vadd.s32 v15, v21;
	[tilespmem:s24+$0x19500] =	vst v58;
	v25 =	vld.idx.msk [tilespmem:v59+s2+$0x0], $0xffff  }
0x1b4: {  	v22 =	vadd.s32 v15, v22;
	v16 =	vld.idx.msk [tilespmem:v16+s2+$0x0], $0xffff;
	[tilespmem:s26+$0x19500] =	vst v27  }
0x1b5: {  	v18 =	vld.idx.msk [tilespmem:v60+s2+$0x0], $0xffff;
	[tilespmem:s28+$0x19500] =	vst v24  }
0x1b6: {  	v19 =	vld.idx.msk [tilespmem:v61+s2+$0x0], $0xffff;
	[tilespmem:s30+$0x19500] =	vst v23  }
0x1b7: {  	v17 =	vld.idx.msk [tilespmem:v17+s2+$0x0], $0xffff;
	[tilespmem:s17+$0x19500] =	vst v62  }
0x1b8: {  	v20 =	vld.idx.msk [tilespmem:v63+s2+$0x0], $0xffff;
	[tilespmem:s18+$0x19500] =	vst v25  }
0x1b9: {  	s22 =	sadd.s32 $0x1, s22;
	[tilespmem:s24+$0x19580] =	vst v16;
	v16 =	vld.idx.msk [tilespmem:v22+s2+$0x0], $0xffff  }
0x1ba: {  	p1 =	sne.s32 s22, $0xF;
	[tilespmem:s26+$0x19580] =	vst v18  }
.Ltmp4:
0x1bb: {  	[tilespmem:s28+$0x19580] =	vst v19;
	(pc) =	sbr.rel @p1 .LBB2_2-.Ltmp4, $4  }
0x1bc: {  	[tilespmem:s30+$0x19580] =	vst v17  }
0x1bd: {  	[tilespmem:s17+$0x19580] =	vst v20  }
0x1be: {  	s21 =	sadd.s32 $0xD00, s21;
	s20 =	sadd.s32 $0xD00, s20;
	s31 =	sadd.s32 s23, s5;
	[tilespmem:s18+$0x19580] =	vst v16  }
0x1bf: {  	[hbm4b:s31+s11] =	stream.strided.scatter [tilespmem:s14], [sflag:$0x2], $0x6800, s12, s11, $0x38;
	[tilespmem:$0x1C600] =	vst v63  }
0x1c0: {  	s0 =	simm.s32 $0x1  }
0x1c1: {  	_ =	swait.ge [sflag:s0], $0x6800  }
.Ltmp5:
0x1c2: {  	[sflag:s0] =	ssyncset.done $0x0;
	(pc) =	sbr.rel @p0 .LBB2_11-.Ltmp5, $4  }
0x1c3: {  	[sflag:s0] =	ssyncadd.s32 $0xFFFF9800  }
0x1c4: {  	_ =	swait.ge [sflag:s16], $0x6800  }
0x1c5: {  	[sflag:s16] =	ssyncset.done $0x0  }
0x1c6: {  	[sflag:s16] =	ssyncadd.s32 $0xFFFF9800  }
0x1c7: {  	s0 =	simm.s32 $0x0;
	s1 =	rddreg [dreg:$0x6];
	s3 =	simm.s32 $0xF580  }
0x1c8: {  	[tilespmem:s3], [sflag:$0x3] =	stream.linear.gather [hbm4b:s1+s0], $0x80, $0x38;
	[tilespmem:$0x1C600] =	vst v63  }
0x1c9: {  	_ =	swait.ge [sflag:s9], $0x80  }
0x1ca: {  	[sflag:s9] =	ssyncset.done $0x0  }
0x1cb: {  	s20 =	simm.s32 $0x0;
	[sflag:s9] =	ssyncadd.s32 $0xFFFFFF80  }
0x1cc: {  	v16 =	vld [tilespmem:s20+$0xF580];
	_ =	sdelay $0x4  }
0x1cd: {  	v16 =	vshll.u32 v16, $0x4  }
0x1ce: {  	v17 =	vadd.s32 v0, v16;
	_ =	sdelay $0x4  }
0x1cf: {  	v17 =	vld.idx.msk [tilespmem:v17+s2+$0x0], $0xffff  }
0x1d0: {  	v18 =	vadd.s32 v1, v16;
	_ =	sdelay $0x2  }
0x1d1: {  	s21 =	simm.s32 $0x10  }
0x1d2: {  	[tilespmem:s20+$0xF600] =	vst v17;
	v17 =	vld [tilespmem:s21+$0xF580]  }
0x1d3: {  	v18 =	vld.idx.msk [tilespmem:v18+s2+$0x0], $0xffff  }
0x1d4: {  	v19 =	vadd.s32 v2, v16;
	_ =	sdelay $0x3  }
0x1d5: {  	v17 =	vshll.u32 v17, $0x4;
	[tilespmem:s20+$0xF680] =	vst v18  }
0x1d6: {  	v18 =	vld.idx.msk [tilespmem:v19+s2+$0x0], $0xffff;
	v19 =	vadd.s32 v0, v17  }
0x1d7: {  	v20 =	vadd.s32 v3, v16;
	_ =	sdelay $0x3  }
0x1d8: {  	v19 =	vld.idx.msk [tilespmem:v19+s2+$0x0], $0xffff;
	[tilespmem:s20+$0xF700] =	vst v18  }
0x1d9: {  	v18 =	vld.idx.msk [tilespmem:v20+s2+$0x0], $0xffff;
	v20 =	vadd.s32 v1, v17  }
0x1da: {  	v21 =	vadd.s32 v4, v16;
	_ =	sdelay $0x1  }
0x1db: {  	s22 =	simm.s32 $0x20  }
0x1dc: {  	[tilespmem:s21+$0xF600] =	vst v19;
	v19 =	vld [tilespmem:s22+$0xF580]  }
0x1dd: {  	[tilespmem:s20+$0xF780] =	vst v18;
	v18 =	vld.idx.msk [tilespmem:v20+s2+$0x0], $0xffff  }
0x1de: {  	v20 =	vld.idx.msk [tilespmem:v21+s2+$0x0], $0xffff;
	v21 =	vadd.s32 v2, v17  }
0x1df: {  	v22 =	vadd.s32 v5, v16;
	_ =	sdelay $0x2  }
0x1e0: {  	[tilespmem:s21+$0xF680] =	vst v18;
	v18 =	vshll.u32 v19, $0x4  }
0x1e1: {  	v19 =	vld.idx.msk [tilespmem:v21+s2+$0x0], $0xffff;
	[tilespmem:s20+$0xF800] =	vst v20;
	v20 =	vadd.s32 v0, v18  }
0x1e2: {  	v21 =	vld.idx.msk [tilespmem:v22+s2+$0x0], $0xffff;
	v22 =	vadd.s32 v3, v17  }
0x1e3: {  	v23 =	vadd.s32 v6, v16;
	_ =	sdelay $0x2  }
0x1e4: {  	v20 =	vld.idx.msk [tilespmem:v20+s2+$0x0], $0xffff;
	[tilespmem:s21+$0xF700] =	vst v19  }
0x1e5: {  	v19 =	vld.idx.msk [tilespmem:v22+s2+$0x0], $0xffff;
	[tilespmem:s20+$0xF880] =	vst v21;
	v21 =	vadd.s32 v1, v18  }
0x1e6: {  	v22 =	vld.idx.msk [tilespmem:v23+s2+$0x0], $0xffff;
	v23 =	vadd.s32 v4, v17  }
0x1e7: {  	v24 =	vadd.s32 v7, v16  }
0x1e8: {  	s23 =	simm.s32 $0x30  }
0x1e9: {  	[tilespmem:s22+$0xF600] =	vst v20;
	v20 =	vld [tilespmem:s23+$0xF580]  }
0x1ea: {  	[tilespmem:s21+$0xF780] =	vst v19;
	v19 =	vld.idx.msk [tilespmem:v21+s2+$0x0], $0xffff  }
0x1eb: {  	[tilespmem:s20+$0xF900] =	vst v22;
	v21 =	vld.idx.msk [tilespmem:v23+s2+$0x0], $0xffff;
	v22 =	vadd.s32 v2, v18  }
0x1ec: {  	v23 =	vld.idx.msk [tilespmem:v24+s2+$0x0], $0xffff;
	v24 =	vadd.s32 v5, v17  }
0x1ed: {  	v25 =	vadd.s32 v8, v16;
	_ =	sdelay $0x1  }
0x1ee: {  	[tilespmem:s22+$0xF680] =	vst v19;
	v19 =	vshll.u32 v20, $0x4  }
0x1ef: {  	v20 =	vld.idx.msk [tilespmem:v22+s2+$0x0], $0xffff;
	[tilespmem:s21+$0xF800] =	vst v21;
	v21 =	vadd.s32 v0, v19  }
0x1f0: {  	v22 =	vld.idx.msk [tilespmem:v24+s2+$0x0], $0xffff;
	[tilespmem:s20+$0xF980] =	vst v23;
	v23 =	vadd.s32 v3, v18  }
0x1f1: {  	v24 =	vld.idx.msk [tilespmem:v25+s2+$0x0], $0xffff;
	v25 =	vadd.s32 v6, v17  }
0x1f2: {  	v26 =	vadd.s32 v9, v16;
	_ =	sdelay $0x1  }
0x1f3: {  	v21 =	vld.idx.msk [tilespmem:v21+s2+$0x0], $0xffff;
	[tilespmem:s22+$0xF700] =	vst v20  }
0x1f4: {  	v20 =	vld.idx.msk [tilespmem:v23+s2+$0x0], $0xffff;
	[tilespmem:s21+$0xF880] =	vst v22;
	v22 =	vadd.s32 v1, v19  }
0x1f5: {  	v23 =	vld.idx.msk [tilespmem:v25+s2+$0x0], $0xffff;
	[tilespmem:s20+$0x12A00] =	vst v24;
	v24 =	vadd.s32 v4, v18  }
0x1f6: {  	v25 =	vld.idx.msk [tilespmem:v26+s2+$0x0], $0xffff;
	v26 =	vadd.s32 v7, v17  }
0x1f7: {  	s24 =	simm.s32 $0x40;
	v27 =	vadd.s32 v10, v16  }
0x1f8: {  	[tilespmem:s23+$0xF600] =	vst v21;
	v21 =	vld [tilespmem:s24+$0xF580]  }
0x1f9: {  	[tilespmem:s22+$0xF780] =	vst v20;
	v22 =	vld.idx.msk [tilespmem:v22+s2+$0x0], $0xffff  }
0x1fa: {  	[tilespmem:s21+$0xF900] =	vst v23;
	v23 =	vld.idx.msk [tilespmem:v24+s2+$0x0], $0xffff;
	v24 =	vadd.s32 v2, v19  }
0x1fb: {  	[tilespmem:s20+$0x12A80] =	vst v25;
	v25 =	vld.idx.msk [tilespmem:v26+s2+$0x0], $0xffff;
	v26 =	vadd.s32 v5, v18  }
0x1fc: {  	v28 =	vadd.s32 v8, v17;
	v27 =	vld.idx.msk [tilespmem:v27+s2+$0x0], $0xffff  }
0x1fd: {  	v29 =	vadd.s32 v11, v16  }
0x1fe: {  	v20 =	vshll.u32 v21, $0x4;
	[tilespmem:s23+$0xF680] =	vst v22  }
0x1ff: {  	v21 =	vadd.s32 v0, v20;
	v22 =	vld.idx.msk [tilespmem:v24+s2+$0x0], $0xffff;
	[tilespmem:s22+$0xF800] =	vst v23  }
0x200: {  	v24 =	vadd.s32 v3, v19;
	v23 =	vld.idx.msk [tilespmem:v26+s2+$0x0], $0xffff;
	[tilespmem:s21+$0xF980] =	vst v25  }
0x201: {  	v26 =	vadd.s32 v6, v18;
	v25 =	vld.idx.msk [tilespmem:v28+s2+$0x0], $0xffff;
	[tilespmem:s20+$0x12B00] =	vst v27  }
0x202: {  	v28 =	vadd.s32 v9, v17;
	v27 =	vld.idx.msk [tilespmem:v29+s2+$0x0], $0xffff  }
0x203: {  	v29 =	vadd.s32 v12, v16  }
0x204: {  	v21 =	vld.idx.msk [tilespmem:v21+s2+$0x0], $0xffff;
	[tilespmem:s23+$0xF700] =	vst v22  }
0x205: {  	v24 =	vld.idx.msk [tilespmem:v24+s2+$0x0], $0xffff;
	[tilespmem:s22+$0xF880] =	vst v23  }
0x206: {  	v22 =	vadd.s32 v1, v20;
	v26 =	vld.idx.msk [tilespmem:v26+s2+$0x0], $0xffff;
	[tilespmem:s21+$0x12A00] =	vst v25  }
0x207: {  	v25 =	vadd.s32 v4, v19;
	v30 =	vld.idx.msk [tilespmem:v28+s2+$0x0], $0xffff;
	[tilespmem:s20+$0x12B80] =	vst v27  }
0x208: {  	v27 =	vadd.s32 v7, v18;
	v29 =	vld.idx.msk [tilespmem:v29+s2+$0x0], $0xffff  }
0x209: {  	s25 =	simm.s32 $0x50;
	[tilespmem:s24+$0xF600] =	vst v21;
	v21 =	vadd.s32 v10, v17  }
0x20a: {  	v31 =	vadd.s32 v13, v16;
	v23 =	vld [tilespmem:s25+$0xF580];
	[tilespmem:s23+$0xF780] =	vst v24  }
0x20b: {  	v22 =	vld.idx.msk [tilespmem:v22+s2+$0x0], $0xffff;
	[tilespmem:s22+$0xF900] =	vst v26  }
0x20c: {  	v28 =	vld.idx.msk [tilespmem:v25+s2+$0x0], $0xffff;
	[tilespmem:s21+$0x12A80] =	vst v30;
	v30 =	vadd.s32 v2, v20  }
0x20d: {  	v26 =	vld.idx.msk [tilespmem:v27+s2+$0x0], $0xffff;
	[tilespmem:s20+$0x12C00] =	vst v29;
	v29 =	vadd.s32 v5, v19  }
0x20e: {  	v27 =	vadd.s32 v8, v18;
	v24 =	vld.idx.msk [tilespmem:v21+s2+$0x0], $0xffff  }
0x20f: {  	v25 =	vadd.s32 v11, v17;
	v21 =	vld.idx.msk [tilespmem:v31+s2+$0x0], $0xffff  }
0x210: {  	s0 =	simm.s32 $0x180;
	[tilespmem:s24+$0xF680] =	vst v22;
	v22 =	vadd.s32 v14, v16  }
.LBB2_9:
0x211: {  	p1 =	sne.s32 s0, $0x1C0;
	v23 =	vshll.u32 v23, $0x4;
	v30 =	vld.idx.msk [tilespmem:v30+s2+$0x0], $0xffff;
	[tilespmem:s23+$0xF800] =	vst v28  }
0x212: {  	v28 =	vadd.s32 v0, v23;
	v29 =	vld.idx.msk [tilespmem:v29+s2+$0x0], $0xffff;
	[tilespmem:s22+$0xF980] =	vst v26  }
0x213: {  	v26 =	vadd.s32 v3, v20;
	v27 =	vld.idx.msk [tilespmem:v27+s2+$0x0], $0xffff;
	[tilespmem:s21+$0x12B00] =	vst v24  }
0x214: {  	v24 =	vadd.s32 v6, v19;
	v25 =	vld.idx.msk [tilespmem:v25+s2+$0x0], $0xffff;
	[tilespmem:s20+$0x12C80] =	vst v21  }
0x215: {  	v21 =	vadd.s32 v9, v18;
	v22 =	vld.idx.msk [tilespmem:v22+s2+$0x0], $0xffff  }
0x216: {  	v31 =	vadd.s32 v12, v17  }
0x217: {  	v28 =	vld.idx.msk [tilespmem:v28+s2+$0x0], $0xffff;
	[tilespmem:s24+$0xF700] =	vst v30;
	v30 =	vadd.s32 v15, v16;
	v16 =	vmovc v17;
	v17 =	vmov v18;
	v18 =	vmov v19  }
0x218: {  	v19 =	vmov v20;
	v20 =	vmov v23;
	v26 =	vld.idx.msk [tilespmem:v26+s2+$0x0], $0xffff;
	[tilespmem:s23+$0xF880] =	vst v29  }
0x219: {  	v24 =	vld.idx.msk [tilespmem:v24+s2+$0x0], $0xffff;
	[tilespmem:s22+$0x12A00] =	vst v27  }
0x21a: {  	v27 =	vadd.s32 v1, v20;
	v21 =	vld.idx.msk [tilespmem:v21+s2+$0x0], $0xffff;
	[tilespmem:s21+$0x12B80] =	vst v25  }
0x21b: {  	v25 =	vadd.s32 v4, v19;
	v29 =	vld.idx.msk [tilespmem:v31+s2+$0x0], $0xffff;
	[tilespmem:s20+$0x12D00] =	vst v22  }
0x21c: {  	v22 =	vadd.s32 v7, v18;
	v31 =	vld.idx.msk [tilespmem:v30+s2+$0x0], $0xffff  }
0x21d: {  	s1 =	sshra.s32 s0, $0x2;
	v32 =	vadd.s32 v10, v17;
	[tilespmem:s25+$0xF600] =	vst v28  }
0x21e: {  	v33 =	vadd.s32 v13, v16;
	v23 =	vld [tilespmem:s1+$0xF580];
	[tilespmem:s24+$0xF780] =	vst v26  }
0x21f: {  	v34 =	vld.idx.msk [tilespmem:v27+s2+$0x0], $0xffff;
	[tilespmem:s23+$0xF900] =	vst v24  }
0x220: {  	v28 =	vld.idx.msk [tilespmem:v25+s2+$0x0], $0xffff;
	[tilespmem:s22+$0x12A80] =	vst v21  }
.Ltmp6:
0x221: {  	v30 =	vadd.s32 v2, v20;
	v26 =	vld.idx.msk [tilespmem:v22+s2+$0x0], $0xffff;
	[tilespmem:s21+$0x12C00] =	vst v29;
	(pc) =	sbr.rel @p1 .LBB2_9-.Ltmp6, $4  }
0x222: {  	v29 =	vadd.s32 v5, v19;
	v24 =	vld.idx.msk [tilespmem:v32+s2+$0x0], $0xffff;
	[tilespmem:s20+$0x12D80] =	vst v31;
	s20 =	smov.u32 s21;
	s21 =	smov.u32 s22;
	s22 =	smov.u32 s23  }
0x223: {  	v27 =	vadd.s32 v8, v18;
	s23 =	smov.u32 s24;
	s24 =	smov.u32 s25;
	s25 =	smov.u32 s1;
	v21 =	vld.idx.msk [tilespmem:v33+s2+$0x0], $0xffff  }
0x224: {  	v25 =	vadd.s32 v11, v17  }
0x225: {  	s0 =	sadd.s32 $0x40, s0;
	v22 =	vadd.s32 v14, v16;
	[tilespmem:s24+$0xF680] =	vst v34  }
0x226: {  	v23 =	vshll.u32 v23, $0x4  }
0x227: {  	v31 =	vadd.s32 v0, v23;
	_ =	sdelay $0x4  }
0x228: {  	v31 =	vld.idx.msk [tilespmem:v31+s2+$0x0], $0xffff  }
0x229: {  	v32 =	vadd.s32 v1, v23;
	_ =	sdelay $0x3  }
0x22a: {  	[tilespmem:s25+$0xF600] =	vst v31  }
0x22b: {  	v31 =	vld.idx.msk [tilespmem:v32+s2+$0x0], $0xffff  }
0x22c: {  	v46 =	vadd.s32 v2, v23;
	_ =	sdelay $0x3  }
0x22d: {  	v30 =	vld.idx.msk [tilespmem:v30+s2+$0x0], $0xffff;
	[tilespmem:s25+$0xF680] =	vst v31  }
0x22e: {  	v47 =	vadd.s32 v3, v20;
	v32 =	vld.idx.msk [tilespmem:v46+s2+$0x0], $0xffff  }
0x22f: {  	v33 =	vadd.s32 v3, v23;
	_ =	sdelay $0x2  }
0x230: {  	[tilespmem:s24+$0xF700] =	vst v30  }
0x231: {  	v30 =	vld.idx.msk [tilespmem:v47+s2+$0x0], $0xffff;
	[tilespmem:s25+$0xF700] =	vst v32  }
0x232: {  	v48 =	vadd.s32 v4, v20;
	v32 =	vld.idx.msk [tilespmem:v33+s2+$0x0], $0xffff  }
0x233: {  	v49 =	vadd.s32 v4, v23;
	_ =	sdelay $0x2  }
0x234: {  	[tilespmem:s24+$0xF780] =	vst v30  }
0x235: {  	v30 =	vld.idx.msk [tilespmem:v48+s2+$0x0], $0xffff;
	[tilespmem:s25+$0xF780] =	vst v32  }
0x236: {  	v50 =	vadd.s32 v5, v20;
	v32 =	vld.idx.msk [tilespmem:v49+s2+$0x0], $0xffff  }
0x237: {  	v51 =	vadd.s32 v5, v23;
	_ =	sdelay $0x1  }
0x238: {  	[tilespmem:s23+$0xF800] =	vst v28  }
0x239: {  	v28 =	vld.idx.msk [tilespmem:v29+s2+$0x0], $0xffff;
	[tilespmem:s24+$0xF800] =	vst v30  }
0x23a: {  	v52 =	vadd.s32 v6, v19;
	v30 =	vld.idx.msk [tilespmem:v50+s2+$0x0], $0xffff;
	[tilespmem:s25+$0xF800] =	vst v32  }
0x23b: {  	v53 =	vadd.s32 v6, v20;
	v32 =	vld.idx.msk [tilespmem:v51+s2+$0x0], $0xffff  }
0x23c: {  	v54 =	vadd.s32 v6, v23;
	_ =	sdelay $0x1  }
0x23d: {  	[tilespmem:s23+$0xF880] =	vst v28  }
0x23e: {  	v28 =	vld.idx.msk [tilespmem:v52+s2+$0x0], $0xffff;
	[tilespmem:s24+$0xF880] =	vst v30  }
0x23f: {  	v55 =	vadd.s32 v7, v19;
	v30 =	vld.idx.msk [tilespmem:v53+s2+$0x0], $0xffff;
	[tilespmem:s25+$0xF880] =	vst v32  }
0x240: {  	v56 =	vadd.s32 v7, v20;
	v32 =	vld.idx.msk [tilespmem:v54+s2+$0x0], $0xffff  }
0x241: {  	v57 =	vadd.s32 v7, v23;
	_ =	sdelay $0x1  }
0x242: {  	[tilespmem:s23+$0xF900] =	vst v28  }
0x243: {  	v28 =	vld.idx.msk [tilespmem:v55+s2+$0x0], $0xffff;
	[tilespmem:s24+$0xF900] =	vst v30  }
0x244: {  	v58 =	vadd.s32 v8, v19;
	v30 =	vld.idx.msk [tilespmem:v56+s2+$0x0], $0xffff;
	[tilespmem:s25+$0xF900] =	vst v32  }
0x245: {  	v59 =	vadd.s32 v8, v20;
	v32 =	vld.idx.msk [tilespmem:v57+s2+$0x0], $0xffff  }
0x246: {  	v60 =	vadd.s32 v8, v23  }
0x247: {  	[tilespmem:s22+$0xF980] =	vst v26  }
0x248: {  	v26 =	vld.idx.msk [tilespmem:v27+s2+$0x0], $0xffff;
	[tilespmem:s23+$0xF980] =	vst v28  }
0x249: {  	v61 =	vadd.s32 v9, v18;
	v28 =	vld.idx.msk [tilespmem:v58+s2+$0x0], $0xffff;
	[tilespmem:s24+$0xF980] =	vst v30  }
0x24a: {  	v62 =	vadd.s32 v9, v19;
	v30 =	vld.idx.msk [tilespmem:v59+s2+$0x0], $0xffff;
	[tilespmem:s25+$0xF980] =	vst v32  }
0x24b: {  	v63 =	vadd.s32 v9, v20;
	v32 =	vld.idx.msk [tilespmem:v60+s2+$0x0], $0xffff  }
0x24c: {  	v36 =	vadd.s32 v9, v23  }
0x24d: {  	[tilespmem:s22+$0x12A00] =	vst v26  }
0x24e: {  	v26 =	vld.idx.msk [tilespmem:v61+s2+$0x0], $0xffff;
	[tilespmem:s23+$0x12A00] =	vst v28  }
0x24f: {  	v37 =	vadd.s32 v10, v18;
	v28 =	vld.idx.msk [tilespmem:v62+s2+$0x0], $0xffff;
	[tilespmem:s24+$0x12A00] =	vst v30  }
0x250: {  	v38 =	vadd.s32 v10, v19;
	v30 =	vld.idx.msk [tilespmem:v63+s2+$0x0], $0xffff;
	[tilespmem:s25+$0x12A00] =	vst v32  }
0x251: {  	v39 =	vadd.s32 v10, v20;
	v32 =	vld.idx.msk [tilespmem:v36+s2+$0x0], $0xffff  }
0x252: {  	v40 =	vadd.s32 v10, v23  }
0x253: {  	[tilespmem:s22+$0x12A80] =	vst v26  }
0x254: {  	v26 =	vld.idx.msk [tilespmem:v37+s2+$0x0], $0xffff;
	[tilespmem:s23+$0x12A80] =	vst v28  }
0x255: {  	v41 =	vadd.s32 v11, v18;
	v28 =	vld.idx.msk [tilespmem:v38+s2+$0x0], $0xffff;
	[tilespmem:s24+$0x12A80] =	vst v30  }
0x256: {  	v42 =	vadd.s32 v11, v19;
	v30 =	vld.idx.msk [tilespmem:v39+s2+$0x0], $0xffff;
	[tilespmem:s25+$0x12A80] =	vst v32  }
0x257: {  	v43 =	vadd.s32 v11, v20;
	v32 =	vld.idx.msk [tilespmem:v40+s2+$0x0], $0xffff  }
0x258: {  	[tilespmem:s21+$0x12B00] =	vst v24;
	v44 =	vadd.s32 v11, v23  }
0x259: {  	v25 =	vld.idx.msk [tilespmem:v25+s2+$0x0], $0xffff;
	[tilespmem:s22+$0x12B00] =	vst v26  }
0x25a: {  	v45 =	vadd.s32 v12, v17;
	v27 =	vld.idx.msk [tilespmem:v41+s2+$0x0], $0xffff;
	[tilespmem:s23+$0x12B00] =	vst v28  }
0x25b: {  	v46 =	vadd.s32 v12, v18;
	v29 =	vld.idx.msk [tilespmem:v42+s2+$0x0], $0xffff;
	[tilespmem:s24+$0x12B00] =	vst v30  }
0x25c: {  	v47 =	vadd.s32 v12, v19;
	v31 =	vld.idx.msk [tilespmem:v43+s2+$0x0], $0xffff;
	[tilespmem:s25+$0x12B00] =	vst v32  }
0x25d: {  	v48 =	vadd.s32 v12, v20;
	v24 =	vld.idx.msk [tilespmem:v44+s2+$0x0], $0xffff  }
0x25e: {  	[tilespmem:s21+$0x12B80] =	vst v25;
	v49 =	vadd.s32 v12, v23  }
0x25f: {  	v26 =	vld.idx.msk [tilespmem:v45+s2+$0x0], $0xffff;
	[tilespmem:s22+$0x12B80] =	vst v27  }
0x260: {  	v50 =	vadd.s32 v13, v17;
	v28 =	vld.idx.msk [tilespmem:v46+s2+$0x0], $0xffff;
	[tilespmem:s23+$0x12B80] =	vst v29  }
0x261: {  	v51 =	vadd.s32 v13, v18;
	v30 =	vld.idx.msk [tilespmem:v47+s2+$0x0], $0xffff;
	[tilespmem:s24+$0x12B80] =	vst v31  }
0x262: {  	v52 =	vadd.s32 v13, v19;
	v32 =	vld.idx.msk [tilespmem:v48+s2+$0x0], $0xffff;
	[tilespmem:s25+$0x12B80] =	vst v24  }
0x263: {  	v53 =	vadd.s32 v13, v20;
	v25 =	vld.idx.msk [tilespmem:v49+s2+$0x0], $0xffff  }
0x264: {  	[tilespmem:s21+$0x12C00] =	vst v26;
	v54 =	vadd.s32 v13, v23  }
0x265: {  	v27 =	vld.idx.msk [tilespmem:v50+s2+$0x0], $0xffff;
	[tilespmem:s22+$0x12C00] =	vst v28  }
0x266: {  	v55 =	vadd.s32 v14, v17;
	v29 =	vld.idx.msk [tilespmem:v51+s2+$0x0], $0xffff;
	[tilespmem:s23+$0x12C00] =	vst v30  }
0x267: {  	v56 =	vadd.s32 v14, v18;
	v31 =	vld.idx.msk [tilespmem:v52+s2+$0x0], $0xffff;
	[tilespmem:s24+$0x12C00] =	vst v32  }
0x268: {  	v57 =	vadd.s32 v14, v19;
	v24 =	vld.idx.msk [tilespmem:v53+s2+$0x0], $0xffff;
	[tilespmem:s25+$0x12C00] =	vst v25  }
0x269: {  	[tilespmem:s20+$0x12C80] =	vst v21;
	v58 =	vadd.s32 v14, v20;
	v26 =	vld.idx.msk [tilespmem:v54+s2+$0x0], $0xffff  }
0x26a: {  	v22 =	vld.idx.msk [tilespmem:v22+s2+$0x0], $0xffff;
	[tilespmem:s21+$0x12C80] =	vst v27;
	v59 =	vadd.s32 v14, v23  }
0x26b: {  	v16 =	vadd.s32 v15, v16;
	v28 =	vld.idx.msk [tilespmem:v55+s2+$0x0], $0xffff;
	[tilespmem:s22+$0x12C80] =	vst v29  }
0x26c: {  	v17 =	vadd.s32 v15, v17;
	v29 =	vld.idx.msk [tilespmem:v56+s2+$0x0], $0xffff;
	[tilespmem:s23+$0x12C80] =	vst v31  }
0x26d: {  	v60 =	vadd.s32 v15, v18;
	[tilespmem:s24+$0x12C80] =	vst v24;
	v25 =	vld.idx.msk [tilespmem:v57+s2+$0x0], $0xffff  }
0x26e: {  	v61 =	vadd.s32 v15, v19;
	v21 =	vld.idx.msk [tilespmem:v58+s2+$0x0], $0xffff;
	[tilespmem:s25+$0x12C80] =	vst v26  }
0x26f: {  	[tilespmem:s20+$0x12D00] =	vst v22;
	v62 =	vadd.s32 v15, v20;
	v63 =	vld.idx.msk [tilespmem:v59+s2+$0x0], $0xffff  }
0x270: {  	v16 =	vld.idx.msk [tilespmem:v16+s2+$0x0], $0xffff;
	v23 =	vadd.s32 v15, v23;
	[tilespmem:s21+$0x12D00] =	vst v28  }
0x271: {  	v17 =	vld.idx.msk [tilespmem:v17+s2+$0x0], $0xffff;
	[tilespmem:s22+$0x12D00] =	vst v29  }
0x272: {  	v18 =	vld.idx.msk [tilespmem:v60+s2+$0x0], $0xffff;
	[tilespmem:s23+$0x12D00] =	vst v25  }
0x273: {  	[tilespmem:s24+$0x12D00] =	vst v21;
	v19 =	vld.idx.msk [tilespmem:v61+s2+$0x0], $0xffff  }
0x274: {  	v20 =	vld.idx.msk [tilespmem:v62+s2+$0x0], $0xffff;
	[tilespmem:s25+$0x12D00] =	vst v63  }
0x275: {  	[tilespmem:s20+$0x12D80] =	vst v16;
	v16 =	vld.idx.msk [tilespmem:v23+s2+$0x0], $0xffff  }
0x276: {  	[tilespmem:s21+$0x12D80] =	vst v17  }
0x277: {  	[tilespmem:s22+$0x12D80] =	vst v18  }
0x278: {  	[tilespmem:s23+$0x12D80] =	vst v19  }
0x279: {  	[tilespmem:s24+$0x12D80] =	vst v20  }
0x27a: {  	[tilespmem:s25+$0x12D80] =	vst v16  }
0x27b: {  	s0 =	rddreg [dreg:$0x7]  }
0x27c: {  	[hbm4b:s0+s2] =	stream.linear.scatter [tilespmem:s13], [sflag:$0x3], $0x400, $0x38;
	[tilespmem:$0x1C600] =	vst v63  }
.Ltmp7:
0x27d: {  	s1 =	simm.s32 $0x12A00;
	s0 =	sadd.s32 $0x186A00, s0;
	(pc) =	sbr.rel .LBB2_11-.Ltmp7, $4  }
0x27e: {  	[hbm4b:s0+s2] =	stream.linear.scatter [tilespmem:s1], [sflag:$0x3], $0x400, $0x38;
	[tilespmem:$0x1C600] =	vst v63  }
0x27f: {  	_ =	swait.ge [sflag:s9], $0x800  }
0x280: {  	[sflag:s9] =	ssyncset.done $0x0  }
0x281: {  	[sflag:s9] =	ssyncadd.s32 $0xFFFFF800  }
.LBB2_12:
0x282: {  	_ =	sfence.sel $0x180000  }
0x283: {  	[bflag:$0x0] =	sbarrier.arrive $0xFFFF  }
0x284: {  	_ =	strace $0x90000047  }
0x285: {  	s0 =	stileid.u32;
	[bflag:$0x2] =	sbarrier.arrive $0xFFFF  }
0x286: {  	p0 =	sne.s32 s0, $0x0;
	s0 =	rddreg [dreg:$0x3]  }
0x287: {  	s0 =	sadd.s32 @!p0 $0x100000, s0  }
0x288: {  	[sflag:s0] =	ssyncadd.tile.s32 @!p0 $0x1;
	_ =	shalt  }
.Lfunc_end2:
_tile_overlayer_lowered:
.L_overlay_start_2:
0x289: {  	(tag) =	ssettag $0x2  }
0x28a: {  	s0 =	rddreg [dreg:$0x0];
	s2 =	stileid.u32  }
0x28b: {  	s1 =	rddreg [dreg:$0x1];
	p0 =	sne.s32 s2, $0x0  }
0x28c: {  	s3 =	rddreg [dreg:$0x2];
	[bflag:$0x3] =	sbarrier.arrive $0xFFFF;
	s2 =	simm.s32 @!p0 $0x1C03  }
0x28d: {  	[timem:s3], [sflag:s2] =	dma.local @!p0 [hbm:s0], s1  }
0x28e: {  	s0 =	simm.s32 @!p0 $0x3  }
0x28f: {  	_ =	swait.ge @!p0 [sflag:s0], s1  }
0x290: {  	s1 =	ssub.s32 @!p0 $0x0, s1;
	[sflag:s0] =	ssyncset.done @!p0 $0x0  }
0x291: {  	[sflag:s0] =	ssyncadd.s32 @!p0 s1  }
0x292: {  	[bflag:$0x3] =	sbarrier.arrive $0xFFFF  }
0x293: {  	_ =	shalt  }

</sc_bundles>
